<compile_context>
chip_gen: v7x
topology: tpu7x:2x2x1
jax: 0.10.2.dev20260603
libtpu: 0.0.44.dev20260713+nightly
codegen_flags: <defaults>
</compile_context>

<pallas_src>
import functools

import jax
import jax.numpy as jnp
from jax import lax
from jax.experimental import pallas as pl
from jax.experimental.pallas import tpu as pltpu
from jax.experimental.pallas import tpu_sc as plsc

H = 128
HH = H // 2
NC = 2
NS = 16
NW = NC * NS
LANES = 16

B, L = 4096, 200
BL = B * L
PER_W = BL // NW
P = 128
CHUNKS = PER_W // P
NCOMB = 120
UNROLL = 2


def _sc_kernel_body(x_hbm, ov_hbm, bl_hbm, comb_hbm, out_hbm,
                    xbuf0, xbuf1, rows0, rows1, ovidx0, ovidx1,
                    blidx0, blidx1, cidx0, cidx1, comb_v,
                    sx0, sx1, si0, si1, so0, so1, sg):
    wid = lax.axis_index("s") * NC + lax.axis_index("c")
    w0 = wid * PER_W

    xbuf = (xbuf0, xbuf1)
    rows = (rows0, rows1)
    ovidx = (ovidx0, ovidx1)
    blidx = (blidx0, blidx1)
    cidx = (cidx0, cidx1)
    sx = (sx0, sx1)
    si = (si0, si1)
    so = (so0, so1)

    @pl.when(lax.axis_index("s") == 0)
    def _copy_table():
        pltpu.sync_copy(comb_hbm, comb_v)

    plsc.subcore_barrier()

    def fire_idx(g, b):
        base = w0 + g * P
        pltpu.async_copy(ov_hbm.at[pl.ds(base, P)], ovidx[b], si[b])
        pltpu.async_copy(bl_hbm.at[pl.ds(base, P)], blidx[b], si[b])

    def wait_idx(g, b):
        base = w0 + g * P
        pltpu.make_async_copy(ov_hbm.at[pl.ds(base, P)], ovidx[b], si[b]).wait()
        pltpu.make_async_copy(bl_hbm.at[pl.ds(base, P)], blidx[b], si[b]).wait()

    def fire_x(g, b):
        base = w0 + g * P
        pltpu.async_copy(x_hbm.at[pl.ds(base * H, P * H)], xbuf[b], sx[b])

    def wait_x(g, b):
        base = w0 + g * P
        pltpu.make_async_copy(
            x_hbm.at[pl.ds(base * H, P * H)], xbuf[b], sx[b]).wait()

    def fire_out(g, b):
        base = w0 + g * P
        pltpu.async_copy(xbuf[b], out_hbm.at[pl.ds(base * H, P * H)], so[b])

    def wait_out(g, b):
        base = w0 + g * P
        pltpu.make_async_copy(
            xbuf[b], out_hbm.at[pl.ds(base * H, P * H)], so[b]).wait()

    fire_idx(0, 0)
    fire_idx(1, 1)
    fire_x(0, 0)

    def pair_body(h, carry):
        for b in range(2):
            g = h * 2 + b
            b1 = 1 - b

            wait_idx(g, b)

            def idx_body(v, c2):
                o = v * LANES
                cidx[b][pl.ds(o, LANES)] = (
                    ovidx[b][pl.ds(o, LANES)] * 6 + blidx[b][pl.ds(o, LANES)]
                )
                return c2

            lax.fori_loop(0, P // LANES, idx_body, 0)
            gather = pltpu.async_copy(comb_v.at[cidx[b]], rows[b], sg)

            @pl.when(g + 2 < CHUNKS)
            def _pf_idx():
                fire_idx(g + 2, b)

            @pl.when(g + 1 < CHUNKS)
            def _pf_x():
                @pl.when(g >= 1)
                def _drain_prev_out():
                    wait_out(g - 1, b1)

                fire_x(g + 1, b1)

            wait_x(g, b)
            gather.wait()

            def pos_body(i, c2):
                for u in range(UNROLL):
                    p = i * UNROLL + u
                    for j in range(H // LANES):
                        o = p * H + j * LANES
                        plsc.addupdate(
                            xbuf[b].at[pl.ds(o, LANES)],
                            rows[b][p, pl.ds(j * LANES, LANES)],
                        )
                return c2

            lax.fori_loop(0, P // UNROLL, pos_body, 0)
            fire_out(g, b)
        return carry

    lax.fori_loop(0, CHUNKS // 2, pair_body, 0)

    wait_out(CHUNKS - 2, 0)
    wait_out(CHUNKS - 1, 1)


@jax.jit
def _run(x_flat, ov_flat, bl_flat, comb_table):
    mesh = plsc.VectorSubcoreMesh(core_axis_name="c", subcore_axis_name="s")
    k = functools.partial(
        pl.kernel,
        mesh=mesh,
        out_type=jax.ShapeDtypeStruct((BL * H,), jnp.float32),
        scratch_types=[
            pltpu.VMEM((P * H,), jnp.float32),
            pltpu.VMEM((P * H,), jnp.float32),
            pltpu.VMEM((P, H), jnp.float32),
            pltpu.VMEM((P, H), jnp.float32),
            pltpu.VMEM((P,), jnp.int32),
            pltpu.VMEM((P,), jnp.int32),
            pltpu.VMEM((P,), jnp.int32),
            pltpu.VMEM((P,), jnp.int32),
            pltpu.VMEM((P,), jnp.int32),
            pltpu.VMEM((P,), jnp.int32),
            pltpu.VMEM_SHARED((NCOMB, H), jnp.float32),
            pltpu.SemaphoreType.DMA,
            pltpu.SemaphoreType.DMA,
            pltpu.SemaphoreType.DMA,
            pltpu.SemaphoreType.DMA,
            pltpu.SemaphoreType.DMA,
            pltpu.SemaphoreType.DMA,
            pltpu.SemaphoreType.DMA,
        ],
    )(_sc_kernel_body)
    return k(x_flat, ov_flat, bl_flat, comb_table)


def kernel(x, overs, balls_in_over, over_table, ball_table):
    x_flat = x.reshape(BL * H)
    ov_flat = overs.reshape(BL).astype(jnp.int32)
    bl_flat = balls_in_over.reshape(BL).astype(jnp.int32)
    comb = jnp.concatenate(
        [jnp.repeat(over_table, 6, axis=0),
         jnp.tile(ball_table, (over_table.shape[0], 1))],
        axis=-1,
    )
    out = _run(x_flat, ov_flat, bl_flat, comb)
    return out.reshape(B, L, H)

# --- scband reference (transcript-rebuilt; emitter-appended) ---
"""Pipeline reference for scband-cricket-positional-encoding-81604378624400 (READ-ONLY COPY).

The authoritative reference and input builder live on the scoring server;
editing this copy changes nothing except your own understanding.
"""

import jax, jax.numpy as jnp
import numpy as np

HIDDEN_DIM = 128
MAX_OVERS = 20
B, L = 4096, 200


def setup_inputs(seed: int = 0) -> dict:
    key = jax.random.key(seed)
    k_x, k_ov, k_ball, k_w1, k_w2 = jax.random.split(key, 5)
    x = jax.random.normal(k_x, (B, L, HIDDEN_DIM), dtype=jnp.float32)
    overs = jax.random.randint(k_ov, (B, L), 0, MAX_OVERS, dtype=jnp.int64 if jax.config.jax_enable_x64 else jnp.int32)
    balls_in_over = jax.random.randint(k_ball, (B, L), 0, 6, dtype=jnp.int64 if jax.config.jax_enable_x64 else jnp.int32)
    # nn.Embedding default init: N(0, 1)
    over_table = jax.random.normal(k_w1, (MAX_OVERS, HIDDEN_DIM // 2), dtype=jnp.float32)
    ball_table = jax.random.normal(k_w2, (6, HIDDEN_DIM // 2), dtype=jnp.float32)
    return {
        "x": x,
        "overs": overs,
        "balls_in_over": balls_in_over,
        "over_table": over_table,
        "ball_table": ball_table,
    }


def reference(x, overs, balls_in_over, over_table, ball_table):
    over_enc = jnp.take(over_table, overs, axis=0)          # [B, L, H/2]
    ball_enc = jnp.take(ball_table, balls_in_over, axis=0)  # [B, L, H/2]
    pos_enc = jnp.concatenate([over_enc, ball_enc], axis=-1)  # [B, L, H]
    return x + pos_enc

if __name__ == "__main__":
    import jax
    _d = setup_inputs()
    print(jax.jit(kernel)(*tuple(_d.values())))

</pallas_src>

<mosaic_0001>
#map = affine_map<(d0, d1) -> (0)>
#map1 = affine_map<(d0, d1) -> (0, 0)>
module attributes {stable_mosaic.version = 14 : i64} {
  func.func @_sc_kernel_body(%arg0: i32, %arg1: i32, %arg2: memref<104857600xf32, #tpu.memory_space<hbm>>, %arg3: memref<819200xi32, #tpu.memory_space<hbm>>, %arg4: memref<819200xi32, #tpu.memory_space<hbm>>, %arg5: memref<120x128xf32, #tpu.memory_space<hbm>>, %arg6: memref<104857600xf32, #tpu.memory_space<hbm>>, %arg7: memref<16384xf32, #tpu.memory_space<vmem>>, %arg8: memref<16384xf32, #tpu.memory_space<vmem>>, %arg9: memref<128x128xf32, #tpu.memory_space<vmem>>, %arg10: memref<128x128xf32, #tpu.memory_space<vmem>>, %arg11: memref<128xi32, #tpu.memory_space<vmem>>, %arg12: memref<128xi32, #tpu.memory_space<vmem>>, %arg13: memref<128xi32, #tpu.memory_space<vmem>>, %arg14: memref<128xi32, #tpu.memory_space<vmem>>, %arg15: memref<128xi32, #tpu.memory_space<vmem>>, %arg16: memref<128xi32, #tpu.memory_space<vmem>>, %arg17: memref<120x128xf32, #tpu.memory_space<vmem_shared>>, %arg18: memref<!tpu.dma_semaphore, #tpu.memory_space<semaphore_mem>>, %arg19: memref<!tpu.dma_semaphore, #tpu.memory_space<semaphore_mem>>, %arg20: memref<!tpu.dma_semaphore, #tpu.memory_space<semaphore_mem>>, %arg21: memref<!tpu.dma_semaphore, #tpu.memory_space<semaphore_mem>>, %arg22: memref<!tpu.dma_semaphore, #tpu.memory_space<semaphore_mem>>, %arg23: memref<!tpu.dma_semaphore, #tpu.memory_space<semaphore_mem>>, %arg24: memref<!tpu.dma_semaphore, #tpu.memory_space<semaphore_mem>>) attributes {dimension_semantics = [#tpu.dimension_semantics<core_parallel>, #tpu.dimension_semantics<subcore_parallel>], iteration_bounds = array<i64: 2, 16>, scalar_prefetch = 0 : i64, scratch_operands = 18 : i64, tpu.core_type = #tpu.core_type<sc_vector_subcore>, window_params = [{transform_indices = #map}, {transform_indices = #map}, {transform_indices = #map}, {transform_indices = #map1}, {transform_indices = #map}]} {
    %mul3A = arith.constant 2 : i32
    %mul3A_0 = arith.muli %arg1, %mul3A : i32
    %add3A = arith.addi %mul3A_0, %arg0 : i32
    %mul3A_1 = arith.constant 25600 : i32
    %mul3A_2 = arith.muli %add3A, %mul3A_1 : i32
    %eq3A = arith.constant 0 : i32
    %eq3A_3 = arith.cmpi eq, %arg1, %eq3A : i32
    %convert_element_type3A = arith.extui %eq3A_3 : i1 to i32
    %cond3A = arith.constant 0 : i32
    %cond3A_4 = arith.cmpi ne, %convert_element_type3A, %cond3A : i32
    scf.if %cond3A_4 {
      "tpu.region"() ({
        %run_scoped3A = tpu.sem_alloc : memref<!tpu.dma_semaphore, #tpu.memory_space<semaphore_mem>>
        tpu.enqueue_dma source(%arg5 : memref<120x128xf32, #tpu.memory_space<hbm>>) target(%arg17 : memref<120x128xf32, #tpu.memory_space<vmem_shared>>) target_semaphore(%run_scoped3A : memref<!tpu.dma_semaphore, #tpu.memory_space<semaphore_mem>>)
        tpu.wait_dma2 semaphore(%run_scoped3A : memref<!tpu.dma_semaphore, #tpu.memory_space<semaphore_mem>>) src(%arg5 : memref<120x128xf32, #tpu.memory_space<hbm>>) dst(%arg17 : memref<120x128xf32, #tpu.memory_space<vmem_shared>>)
        tpu.yield
      }) : () -> ()
    } else {
    }
    %barrier3A = arith.constant 0 : index
    tpu.barrier barrier_id(%barrier3A)
    %add3A_5 = arith.constant 0 : i32
    %add3A_6 = arith.addi %mul3A_2, %add3A_5 : i32
    %dma_start3A = tpu.memref_slice %arg3[%add3A_6] : memref<819200xi32, #tpu.memory_space<hbm>> -> memref<128xi32, #tpu.memory_space<hbm>>
    %dma_start3A_7 = tpu.memref_slice %arg3[%add3A_6] : memref<819200xi32, #tpu.memory_space<hbm>> -> memref<128xi32, #tpu.memory_space<hbm>>
    tpu.enqueue_dma source(%dma_start3A_7 : memref<128xi32, #tpu.memory_space<hbm>>) target(%arg11 : memref<128xi32, #tpu.memory_space<vmem>>) target_semaphore(%arg20 : memref<!tpu.dma_semaphore, #tpu.memory_space<semaphore_mem>>)
    %dma_start3A_8 = tpu.memref_slice %arg4[%add3A_6] : memref<819200xi32, #tpu.memory_space<hbm>> -> memref<128xi32, #tpu.memory_space<hbm>>
    %dma_start3A_9 = tpu.memref_slice %arg4[%add3A_6] : memref<819200xi32, #tpu.memory_space<hbm>> -> memref<128xi32, #tpu.memory_space<hbm>>
    tpu.enqueue_dma source(%dma_start3A_9 : memref<128xi32, #tpu.memory_space<hbm>>) target(%arg13 : memref<128xi32, #tpu.memory_space<vmem>>) target_semaphore(%arg20 : memref<!tpu.dma_semaphore, #tpu.memory_space<semaphore_mem>>)
    %add3A_10 = arith.constant 128 : i32
    %add3A_11 = arith.addi %mul3A_2, %add3A_10 : i32
    %dma_start3A_12 = tpu.memref_slice %arg3[%add3A_11] : memref<819200xi32, #tpu.memory_space<hbm>> -> memref<128xi32, #tpu.memory_space<hbm>>
    %dma_start3A_13 = tpu.memref_slice %arg3[%add3A_11] : memref<819200xi32, #tpu.memory_space<hbm>> -> memref<128xi32, #tpu.memory_space<hbm>>
    tpu.enqueue_dma source(%dma_start3A_13 : memref<128xi32, #tpu.memory_space<hbm>>) target(%arg12 : memref<128xi32, #tpu.memory_space<vmem>>) target_semaphore(%arg21 : memref<!tpu.dma_semaphore, #tpu.memory_space<semaphore_mem>>)
    %dma_start3A_14 = tpu.memref_slice %arg4[%add3A_11] : memref<819200xi32, #tpu.memory_space<hbm>> -> memref<128xi32, #tpu.memory_space<hbm>>
    %dma_start3A_15 = tpu.memref_slice %arg4[%add3A_11] : memref<819200xi32, #tpu.memory_space<hbm>> -> memref<128xi32, #tpu.memory_space<hbm>>
    tpu.enqueue_dma source(%dma_start3A_15 : memref<128xi32, #tpu.memory_space<hbm>>) target(%arg14 : memref<128xi32, #tpu.memory_space<vmem>>) target_semaphore(%arg21 : memref<!tpu.dma_semaphore, #tpu.memory_space<semaphore_mem>>)
    %add3A_16 = arith.constant 0 : i32
    %add3A_17 = arith.addi %mul3A_2, %add3A_16 : i32
    %mul3A_18 = arith.constant 128 : i32
    %mul3A_19 = arith.muli %add3A_17, %mul3A_18 : i32
    %dma_start3A_20 = tpu.memref_slice %arg2[%mul3A_19] : memref<104857600xf32, #tpu.memory_space<hbm>> -> memref<16384xf32, #tpu.memory_space<hbm>>
    %dma_start3A_21 = tpu.memref_slice %arg2[%mul3A_19] : memref<104857600xf32, #tpu.memory_space<hbm>> -> memref<16384xf32, #tpu.memory_space<hbm>>
    tpu.enqueue_dma source(%dma_start3A_21 : memref<16384xf32, #tpu.memory_space<hbm>>) target(%arg7 : memref<16384xf32, #tpu.memory_space<vmem>>) target_semaphore(%arg18 : memref<!tpu.dma_semaphore, #tpu.memory_space<semaphore_mem>>)
    %scan3A = arith.constant 0 : i32
    %scan3A_22 = arith.constant 0 : i32
    %scan3A_23 = arith.constant 100 : i32
    %scan3A_24 = arith.addi %scan3A_22, %scan3A_23 : i32
    %scan3A_25 = arith.constant 1 : i32
    scf.for %scan3A_38 = %scan3A_22 to %scan3A_24 step %scan3A_25  : i32 {
      %mul3A_39 = arith.constant 2 : i32
      %mul3A_40 = arith.muli %scan3A_38, %mul3A_39 : i32
      %add3A_41 = arith.constant 0 : i32
      %add3A_42 = arith.addi %mul3A_40, %add3A_41 : i32
      %mul3A_43 = arith.constant 128 : i32
      %mul3A_44 = arith.muli %add3A_42, %mul3A_43 : i32
      %add3A_45 = arith.addi %mul3A_2, %mul3A_44 : i32
      %dma_wait3A_46 = tpu.memref_slice %arg3[%add3A_45] : memref<819200xi32, #tpu.memory_space<hbm>> -> memref<128xi32, #tpu.memory_space<hbm>>
      %dma_wait3A_47 = tpu.memref_slice %arg3[%add3A_45] : memref<819200xi32, #tpu.memory_space<hbm>> -> memref<128xi32, #tpu.memory_space<hbm>>
      tpu.wait_dma2 semaphore(%arg20 : memref<!tpu.dma_semaphore, #tpu.memory_space<semaphore_mem>>) src(%dma_wait3A_47 : memref<128xi32, #tpu.memory_space<hbm>>) dst(%arg11 : memref<128xi32, #tpu.memory_space<vmem>>)
      %dma_wait3A_48 = tpu.memref_slice %arg4[%add3A_45] : memref<819200xi32, #tpu.memory_space<hbm>> -> memref<128xi32, #tpu.memory_space<hbm>>
      %dma_wait3A_49 = tpu.memref_slice %arg4[%add3A_45] : memref<819200xi32, #tpu.memory_space<hbm>> -> memref<128xi32, #tpu.memory_space<hbm>>
      tpu.wait_dma2 semaphore(%arg20 : memref<!tpu.dma_semaphore, #tpu.memory_space<semaphore_mem>>) src(%dma_wait3A_49 : memref<128xi32, #tpu.memory_space<hbm>>) dst(%arg13 : memref<128xi32, #tpu.memory_space<vmem>>)
      %scan3A_50 = arith.constant 0 : i32
      %scan3A_51 = arith.constant 0 : i32
      %scan3A_52 = arith.constant 8 : i32
      %scan3A_53 = arith.addi %scan3A_51, %scan3A_52 : i32
      %scan3A_54 = arith.constant 1 : i32
      scf.for %scan3A_152 = %scan3A_51 to %scan3A_53 step %scan3A_54  : i32 {
        %mul3A_153 = arith.constant 16 : i32
        %mul3A_154 = arith.muli %scan3A_152, %mul3A_153 : i32
        %get3A = arith.index_cast %mul3A_154 : i32 to index
        %get3A_155 = tpu.vector_load %arg11[%get3A] {strides = array<i32>} : memref<128xi32, #tpu.memory_space<vmem>>, vector<16xi32>,
        %get3A_156 = vector.shape_cast %get3A_155 : vector<16xi32> to vector<16xi32>
        %mul3A_157 = arith.constant 6 : i32
        %mul3A_158 = vector.broadcast %mul3A_157 : i32 to vector<16xi32>
        %mul3A_159 = arith.muli %get3A_156, %mul3A_158 : vector<16xi32>
        %get3A_160 = arith.index_cast %mul3A_154 : i32 to index
        %get3A_161 = tpu.vector_load %arg13[%get3A_160] {strides = array<i32>} : memref<128xi32, #tpu.memory_space<vmem>>, vector<16xi32>,
        %get3A_162 = vector.shape_cast %get3A_161 : vector<16xi32> to vector<16xi32>
        %add3A_163 = arith.addi %mul3A_159, %get3A_162 : vector<16xi32>
        %swap3A = arith.index_cast %mul3A_154 : i32 to index
        %swap3A_164 = tpu.vector_load %arg15[%swap3A] {strides = array<i32>} : memref<128xi32, #tpu.memory_space<vmem>>, vector<16xi32>,
        %swap3A_165 = vector.shape_cast %swap3A_164 : vector<16xi32> to vector<16xi32>
        %swap3A_166 = vector.shape_cast %add3A_163 : vector<16xi32> to vector<16xi32>
        tpu.vector_store %arg15[%swap3A], %swap3A_166 {strides = array<i32>} : memref<128xi32, #tpu.memory_space<vmem>>, vector<16xi32>,
      }
      %scan3A_55 = arith.constant 8 : i32
      %dma_start3A_56 = arith.constant 0 : i32
      %dma_start3A_57 = arith.constant 0 : i32
      %dma_start3A_58 = tpu.memref_slice %arg17[%dma_start3A_56, %dma_start3A_57] : memref<120x128xf32, #tpu.memory_space<vmem_shared>> -> memref<120x128xf32, #tpu.memory_space<vmem_shared>>
      tpu.enqueue_indirect_dma source(%dma_start3A_58 : memref<120x128xf32, #tpu.memory_space<vmem_shared>>) target(%arg9 : memref<128x128xf32, #tpu.memory_space<vmem>>) offsets(%arg15 : memref<128xi32, #tpu.memory_space<vmem>>) semaphore(%arg24 : memref<!tpu.dma_semaphore, #tpu.memory_space<semaphore_mem>>)
      %add3A_59 = arith.constant 2 : i32
      %add3A_60 = arith.addi %add3A_42, %add3A_59 : i32
      %lt3A = arith.constant 200 : i32
      %lt3A_61 = arith.cmpi slt, %add3A_60, %lt3A : i32
      %convert_element_type3A_62 = arith.extui %lt3A_61 : i1 to i32
      %cond3A_63 = arith.constant 0 : i32
      %cond3A_64 = arith.cmpi ne, %convert_element_type3A_62, %cond3A_63 : i32
      scf.if %cond3A_64 {
        %add3A_152 = arith.constant 2 : i32
        %add3A_153 = arith.addi %add3A_42, %add3A_152 : i32
        %mul3A_154 = arith.constant 128 : i32
        %mul3A_155 = arith.muli %add3A_153, %mul3A_154 : i32
        %add3A_156 = arith.addi %mul3A_2, %mul3A_155 : i32
        %dma_start3A_157 = tpu.memref_slice %arg3[%add3A_156] : memref<819200xi32, #tpu.memory_space<hbm>> -> memref<128xi32, #tpu.memory_space<hbm>>
        %dma_start3A_158 = tpu.memref_slice %arg3[%add3A_156] : memref<819200xi32, #tpu.memory_space<hbm>> -> memref<128xi32, #tpu.memory_space<hbm>>
        tpu.enqueue_dma source(%dma_start3A_158 : memref<128xi32, #tpu.memory_space<hbm>>) target(%arg11 : memref<128xi32, #tpu.memory_space<vmem>>) target_semaphore(%arg20 : memref<!tpu.dma_semaphore, #tpu.memory_space<semaphore_mem>>)
        %dma_start3A_159 = tpu.memref_slice %arg4[%add3A_156] : memref<819200xi32, #tpu.memory_space<hbm>> -> memref<128xi32, #tpu.memory_space<hbm>>
        %dma_start3A_160 = tpu.memref_slice %arg4[%add3A_156] : memref<819200xi32, #tpu.memory_space<hbm>> -> memref<128xi32, #tpu.memory_space<hbm>>
        tpu.enqueue_dma source(%dma_start3A_160 : memref<128xi32, #tpu.memory_space<hbm>>) target(%arg13 : memref<128xi32, #tpu.memory_space<vmem>>) target_semaphore(%arg20 : memref<!tpu.dma_semaphore, #tpu.memory_space<semaphore_mem>>)
      } else {
      }
      %add3A_65 = arith.constant 1 : i32
      %add3A_66 = arith.addi %add3A_42, %add3A_65 : i32
      %lt3A_67 = arith.constant 200 : i32
      %lt3A_68 = arith.cmpi slt, %add3A_66, %lt3A_67 : i32
      %convert_element_type3A_69 = arith.extui %lt3A_68 : i1 to i32
      %cond3A_70 = arith.constant 0 : i32
      %cond3A_71 = arith.cmpi ne, %convert_element_type3A_69, %cond3A_70 : i32
      scf.if %cond3A_71 {
        %ge3A = arith.constant 1 : i32
        %ge3A_152 = arith.cmpi sge, %add3A_42, %ge3A : i32
        %convert_element_type3A_153 = arith.extui %ge3A_152 : i1 to i32
        %cond3A_154 = arith.constant 0 : i32
        %cond3A_155 = arith.cmpi ne, %convert_element_type3A_153, %cond3A_154 : i32
        scf.if %cond3A_155 {
          %sub3A = arith.constant 1 : i32
          %sub3A_165 = arith.subi %add3A_42, %sub3A : i32
          %mul3A_166 = arith.constant 128 : i32
          %mul3A_167 = arith.muli %sub3A_165, %mul3A_166 : i32
          %add3A_168 = arith.addi %mul3A_2, %mul3A_167 : i32
          %mul3A_169 = arith.constant 128 : i32
          %mul3A_170 = arith.muli %add3A_168, %mul3A_169 : i32
          %dma_wait3A_171 = tpu.memref_slice %arg6[%mul3A_170] : memref<104857600xf32, #tpu.memory_space<hbm>> -> memref<16384xf32, #tpu.memory_space<hbm>>
          %dma_wait3A_172 = tpu.memref_slice %arg6[%mul3A_170] : memref<104857600xf32, #tpu.memory_space<hbm>> -> memref<16384xf32, #tpu.memory_space<hbm>>
          tpu.wait_dma2 semaphore(%arg23 : memref<!tpu.dma_semaphore, #tpu.memory_space<semaphore_mem>>) src(%arg8 : memref<16384xf32, #tpu.memory_space<vmem>>) dst(%dma_wait3A_172 : memref<16384xf32, #tpu.memory_space<hbm>>)
        } else {
        }
        %add3A_156 = arith.constant 1 : i32
        %add3A_157 = arith.addi %add3A_42, %add3A_156 : i32
        %mul3A_158 = arith.constant 128 : i32
        %mul3A_159 = arith.muli %add3A_157, %mul3A_158 : i32
        %add3A_160 = arith.addi %mul3A_2, %mul3A_159 : i32
        %mul3A_161 = arith.constant 128 : i32
        %mul3A_162 = arith.muli %add3A_160, %mul3A_161 : i32
        %dma_start3A_163 = tpu.memref_slice %arg2[%mul3A_162] : memref<104857600xf32, #tpu.memory_space<hbm>> -> memref<16384xf32, #tpu.memory_space<hbm>>
        %dma_start3A_164 = tpu.memref_slice %arg2[%mul3A_162] : memref<104857600xf32, #tpu.memory_space<hbm>> -> memref<16384xf32, #tpu.memory_space<hbm>>
        tpu.enqueue_dma source(%dma_start3A_164 : memref<16384xf32, #tpu.memory_space<hbm>>) target(%arg8 : memref<16384xf32, #tpu.memory_space<vmem>>) target_semaphore(%arg19 : memref<!tpu.dma_semaphore, #tpu.memory_space<semaphore_mem>>)
      } else {
      }
      %mul3A_72 = arith.constant 128 : i32
      %mul3A_73 = arith.muli %add3A_42, %mul3A_72 : i32
      %add3A_74 = arith.addi %mul3A_2, %mul3A_73 : i32
      %mul3A_75 = arith.constant 128 : i32
      %mul3A_76 = arith.muli %add3A_74, %mul3A_75 : i32
      %dma_wait3A_77 = tpu.memref_slice %arg2[%mul3A_76] : memref<104857600xf32, #tpu.memory_space<hbm>> -> memref<16384xf32, #tpu.memory_space<hbm>>
      %dma_wait3A_78 = tpu.memref_slice %arg2[%mul3A_76] : memref<104857600xf32, #tpu.memory_space<hbm>> -> memref<16384xf32, #tpu.memory_space<hbm>>
      tpu.wait_dma2 semaphore(%arg18 : memref<!tpu.dma_semaphore, #tpu.memory_space<semaphore_mem>>) src(%dma_wait3A_78 : memref<16384xf32, #tpu.memory_space<hbm>>) dst(%arg7 : memref<16384xf32, #tpu.memory_space<vmem>>)
      %dma_wait3A_79 = arith.constant 0 : i32
      %dma_wait3A_80 = arith.constant 0 : i32
      %dma_wait3A_81 = tpu.memref_slice %arg17[%dma_wait3A_79, %dma_wait3A_80] : memref<120x128xf32, #tpu.memory_space<vmem_shared>> -> memref<120x128xf32, #tpu.memory_space<vmem_shared>>
      tpu.wait_indirect_dma semaphore(%arg24 : memref<!tpu.dma_semaphore, #tpu.memory_space<semaphore_mem>>) src(%dma_wait3A_81 : memref<120x128xf32, #tpu.memory_space<vmem_shared>>) dst(%arg9 : memref<128x128xf32, #tpu.memory_space<vmem>>)
      %scan3A_82 = arith.constant 0 : i32
      %scan3A_83 = arith.constant 0 : i32
      %scan3A_84 = arith.constant 64 : i32
      %scan3A_85 = arith.addi %scan3A_83, %scan3A_84 : i32
      %scan3A_86 = arith.constant 1 : i32
      scf.for %scan3A_152 = %scan3A_83 to %scan3A_85 step %scan3A_86  : i32 {
        %mul3A_153 = arith.constant 2 : i32
        %mul3A_154 = arith.muli %scan3A_152, %mul3A_153 : i32
        %add3A_155 = arith.constant 0 : i32
        %add3A_156 = arith.addi %mul3A_154, %add3A_155 : i32
        %mul3A_157 = arith.constant 128 : i32
        %mul3A_158 = arith.muli %add3A_156, %mul3A_157 : i32
        %add3A_159 = arith.constant 0 : i32
        %add3A_160 = arith.addi %mul3A_158, %add3A_159 : i32
        %get3A = arith.index_cast %add3A_156 : i32 to index
        %get3A_161 = arith.constant 0 : index
        %get3A_162 = tpu.vector_load %arg9[%get3A, %get3A_161] {strides = array<i32>} : memref<128x128xf32, #tpu.memory_space<vmem>>, vector<1x16xf32>,
        %get3A_163 = vector.shape_cast %get3A_162 : vector<1x16xf32> to vector<16xf32>
        %swap3A = arith.index_cast %add3A_160 : i32 to index
        %swap3A_164 = tpu.vector_load %arg7[%swap3A] {strides = array<i32>} : memref<16384xf32, #tpu.memory_space<vmem>>, vector<16xf32>,
        %swap3A_165 = vector.shape_cast %swap3A_164 : vector<16xf32> to vector<16xf32>
        %swap3A_166 = vector.shape_cast %get3A_163 : vector<16xf32> to vector<16xf32>
        tpu.vector_store %arg7[%swap3A], %swap3A_166 {add = true, strides = array<i32>} : memref<16384xf32, #tpu.memory_space<vmem>>, vector<16xf32>,
        %mul3A_167 = arith.constant 128 : i32
        %mul3A_168 = arith.muli %add3A_156, %mul3A_167 : i32
        %add3A_169 = arith.constant 16 : i32
        %add3A_170 = arith.addi %mul3A_168, %add3A_169 : i32
        %get3A_171 = arith.index_cast %add3A_156 : i32 to index
        %get3A_172 = arith.constant 16 : index
        %get3A_173 = tpu.vector_load %arg9[%get3A_171, %get3A_172] {strides = array<i32>} : memref<128x128xf32, #tpu.memory_space<vmem>>, vector<1x16xf32>,
        %get3A_174 = vector.shape_cast %get3A_173 : vector<1x16xf32> to vector<16xf32>
        %swap3A_175 = arith.index_cast %add3A_170 : i32 to index
        %swap3A_176 = tpu.vector_load %arg7[%swap3A_175] {strides = array<i32>} : memref<16384xf32, #tpu.memory_space<vmem>>, vector<16xf32>,
        %swap3A_177 = vector.shape_cast %swap3A_176 : vector<16xf32> to vector<16xf32>
        %swap3A_178 = vector.shape_cast %get3A_174 : vector<16xf32> to vector<16xf32>
        tpu.vector_store %arg7[%swap3A_175], %swap3A_178 {add = true, strides = array<i32>} : memref<16384xf32, #tpu.memory_space<vmem>>, vector<16xf32>,
        %mul3A_179 = arith.constant 128 : i32
        %mul3A_180 = arith.muli %add3A_156, %mul3A_179 : i32
        %add3A_181 = arith.constant 32 : i32
        %add3A_182 = arith.addi %mul3A_180, %add3A_181 : i32
        %get3A_183 = arith.index_cast %add3A_156 : i32 to index
        %get3A_184 = arith.constant 32 : index
        %get3A_185 = tpu.vector_load %arg9[%get3A_183, %get3A_184] {strides = array<i32>} : memref<128x128xf32, #tpu.memory_space<vmem>>, vector<1x16xf32>,
        %get3A_186 = vector.shape_cast %get3A_185 : vector<1x16xf32> to vector<16xf32>
        %swap3A_187 = arith.index_cast %add3A_182 : i32 to index
        %swap3A_188 = tpu.vector_load %arg7[%swap3A_187] {strides = array<i32>} : memref<16384xf32, #tpu.memory_space<vmem>>, vector<16xf32>,
        %swap3A_189 = vector.shape_cast %swap3A_188 : vector<16xf32> to vector<16xf32>
        %swap3A_190 = vector.shape_cast %get3A_186 : vector<16xf32> to vector<16xf32>
        tpu.vector_store %arg7[%swap3A_187], %swap3A_190 {add = true, strides = array<i32>} : memref<16384xf32, #tpu.memory_space<vmem>>, vector<16xf32>,
        %mul3A_191 = arith.constant 128 : i32
        %mul3A_192 = arith.muli %add3A_156, %mul3A_191 : i32
        %add3A_193 = arith.constant 48 : i32
        %add3A_194 = arith.addi %mul3A_192, %add3A_193 : i32
        %get3A_195 = arith.index_cast %add3A_156 : i32 to index
        %get3A_196 = arith.constant 48 : index
        %get3A_197 = tpu.vector_load %arg9[%get3A_195, %get3A_196] {strides = array<i32>} : memref<128x128xf32, #tpu.memory_space<vmem>>, vector<1x16xf32>,
        %get3A_198 = vector.shape_cast %get3A_197 : vector<1x16xf32> to vector<16xf32>
        %swap3A_199 = arith.index_cast %add3A_194 : i32 to index
        %swap3A_200 = tpu.vector_load %arg7[%swap3A_199] {strides = array<i32>} : memref<16384xf32, #tpu.memory_space<vmem>>, vector<16xf32>,
        %swap3A_201 = vector.shape_cast %swap3A_200 : vector<16xf32> to vector<16xf32>
        %swap3A_202 = vector.shape_cast %get3A_198 : vector<16xf32> to vector<16xf32>
        tpu.vector_store %arg7[%swap3A_199], %swap3A_202 {add = true, strides = array<i32>} : memref<16384xf32, #tpu.memory_space<vmem>>, vector<16xf32>,
        %mul3A_203 = arith.constant 128 : i32
        %mul3A_204 = arith.muli %add3A_156, %mul3A_203 : i32
        %add3A_205 = arith.constant 64 : i32
        %add3A_206 = arith.addi %mul3A_204, %add3A_205 : i32
        %get3A_207 = arith.index_cast %add3A_156 : i32 to index
        %get3A_208 = arith.constant 64 : index
        %get3A_209 = tpu.vector_load %arg9[%get3A_207, %get3A_208] {strides = array<i32>} : memref<128x128xf32, #tpu.memory_space<vmem>>, vector<1x16xf32>,
        %get3A_210 = vector.shape_cast %get3A_209 : vector<1x16xf32> to vector<16xf32>
        %swap3A_211 = arith.index_cast %add3A_206 : i32 to index
        %swap3A_212 = tpu.vector_load %arg7[%swap3A_211] {strides = array<i32>} : memref<16384xf32, #tpu.memory_space<vmem>>, vector<16xf32>,
        %swap3A_213 = vector.shape_cast %swap3A_212 : vector<16xf32> to vector<16xf32>
        %swap3A_214 = vector.shape_cast %get3A_210 : vector<16xf32> to vector<16xf32>
        tpu.vector_store %arg7[%swap3A_211], %swap3A_214 {add = true, strides = array<i32>} : memref<16384xf32, #tpu.memory_space<vmem>>, vector<16xf32>,
        %mul3A_215 = arith.constant 128 : i32
        %mul3A_216 = arith.muli %add3A_156, %mul3A_215 : i32
        %add3A_217 = arith.constant 80 : i32
        %add3A_218 = arith.addi %mul3A_216, %add3A_217 : i32
        %get3A_219 = arith.index_cast %add3A_156 : i32 to index
        %get3A_220 = arith.constant 80 : index
        %get3A_221 = tpu.vector_load %arg9[%get3A_219, %get3A_220] {strides = array<i32>} : memref<128x128xf32, #tpu.memory_space<vmem>>, vector<1x16xf32>,
        %get3A_222 = vector.shape_cast %get3A_221 : vector<1x16xf32> to vector<16xf32>
        %swap3A_223 = arith.index_cast %add3A_218 : i32 to index
        %swap3A_224 = tpu.vector_load %arg7[%swap3A_223] {strides = array<i32>} : memref<16384xf32, #tpu.memory_space<vmem>>, vector<16xf32>,
        %swap3A_225 = vector.shape_cast %swap3A_224 : vector<16xf32> to vector<16xf32>
        %swap3A_226 = vector.shape_cast %get3A_222 : vector<16xf32> to vector<16xf32>
        tpu.vector_store %arg7[%swap3A_223], %swap3A_226 {add = true, strides = array<i32>} : memref<16384xf32, #tpu.memory_space<vmem>>, vector<16xf32>,
        %mul3A_227 = arith.constant 128 : i32
        %mul3A_228 = arith.muli %add3A_156, %mul3A_227 : i32
        %add3A_229 = arith.constant 96 : i32
        %add3A_230 = arith.addi %mul3A_228, %add3A_229 : i32
        %get3A_231 = arith.index_cast %add3A_156 : i32 to index
        %get3A_232 = arith.constant 96 : index
        %get3A_233 = tpu.vector_load %arg9[%get3A_231, %get3A_232] {strides = array<i32>} : memref<128x128xf32, #tpu.memory_space<vmem>>, vector<1x16xf32>,
        %get3A_234 = vector.shape_cast %get3A_233 : vector<1x16xf32> to vector<16xf32>
        %swap3A_235 = arith.index_cast %add3A_230 : i32 to index
        %swap3A_236 = tpu.vector_load %arg7[%swap3A_235] {strides = array<i32>} : memref<16384xf32, #tpu.memory_space<vmem>>, vector<16xf32>,
        %swap3A_237 = vector.shape_cast %swap3A_236 : vector<16xf32> to vector<16xf32>
        %swap3A_238 = vector.shape_cast %get3A_234 : vector<16xf32> to vector<16xf32>
        tpu.vector_store %arg7[%swap3A_235], %swap3A_238 {add = true, strides = array<i32>} : memref<16384xf32, #tpu.memory_space<vmem>>, vector<16xf32>,
        %mul3A_239 = arith.constant 128 : i32
        %mul3A_240 = arith.muli %add3A_156, %mul3A_239 : i32
        %add3A_241 = arith.constant 112 : i32
        %add3A_242 = arith.addi %mul3A_240, %add3A_241 : i32
        %get3A_243 = arith.index_cast %add3A_156 : i32 to index
        %get3A_244 = arith.constant 112 : index
        %get3A_245 = tpu.vector_load %arg9[%get3A_243, %get3A_244] {strides = array<i32>} : memref<128x128xf32, #tpu.memory_space<vmem>>, vector<1x16xf32>,
        %get3A_246 = vector.shape_cast %get3A_245 : vector<1x16xf32> to vector<16xf32>
        %swap3A_247 = arith.index_cast %add3A_242 : i32 to index
        %swap3A_248 = tpu.vector_load %arg7[%swap3A_247] {strides = array<i32>} : memref<16384xf32, #tpu.memory_space<vmem>>, vector<16xf32>,
        %swap3A_249 = vector.shape_cast %swap3A_248 : vector<16xf32> to vector<16xf32>
        %swap3A_250 = vector.shape_cast %get3A_246 : vector<16xf32> to vector<16xf32>
        tpu.vector_store %arg7[%swap3A_247], %swap3A_250 {add = true, strides = array<i32>} : memref<16384xf32, #tpu.memory_space<vmem>>, vector<16xf32>,
        %mul3A_251 = arith.constant 2 : i32
        %mul3A_252 = arith.muli %scan3A_152, %mul3A_251 : i32
        %add3A_253 = arith.constant 1 : i32
        %add3A_254 = arith.addi %mul3A_252, %add3A_253 : i32
        %mul3A_255 = arith.constant 128 : i32
        %mul3A_256 = arith.muli %add3A_254, %mul3A_255 : i32
        %add3A_257 = arith.constant 0 : i32
        %add3A_258 = arith.addi %mul3A_256, %add3A_257 : i32
        %get3A_259 = arith.index_cast %add3A_254 : i32 to index
        %get3A_260 = arith.constant 0 : index
        %get3A_261 = tpu.vector_load %arg9[%get3A_259, %get3A_260] {strides = array<i32>} : memref<128x128xf32, #tpu.memory_space<vmem>>, vector<1x16xf32>,
        %get3A_262 = vector.shape_cast %get3A_261 : vector<1x16xf32> to vector<16xf32>
        %swap3A_263 = arith.index_cast %add3A_258 : i32 to index
        %swap3A_264 = tpu.vector_load %arg7[%swap3A_263] {strides = array<i32>} : memref<16384xf32, #tpu.memory_space<vmem>>, vector<16xf32>,
        %swap3A_265 = vector.shape_cast %swap3A_264 : vector<16xf32> to vector<16xf32>
        %swap3A_266 = vector.shape_cast %get3A_262 : vector<16xf32> to vector<16xf32>
        tpu.vector_store %arg7[%swap3A_263], %swap3A_266 {add = true, strides = array<i32>} : memref<16384xf32, #tpu.memory_space<vmem>>, vector<16xf32>,
        %mul3A_267 = arith.constant 128 : i32
        %mul3A_268 = arith.muli %add3A_254, %mul3A_267 : i32
        %add3A_269 = arith.constant 16 : i32
        %add3A_270 = arith.addi %mul3A_268, %add3A_269 : i32
        %get3A_271 = arith.index_cast %add3A_254 : i32 to index
        %get3A_272 = arith.constant 16 : index
        %get3A_273 = tpu.vector_load %arg9[%get3A_271, %get3A_272] {strides = array<i32>} : memref<128x128xf32, #tpu.memory_space<vmem>>, vector<1x16xf32>,
        %get3A_274 = vector.shape_cast %get3A_273 : vector<1x16xf32> to vector<16xf32>
        %swap3A_275 = arith.index_cast %add3A_270 : i32 to index
        %swap3A_276 = tpu.vector_load %arg7[%swap3A_275] {strides = array<i32>} : memref<16384xf32, #tpu.memory_space<vmem>>, vector<16xf32>,
        %swap3A_277 = vector.shape_cast %swap3A_276 : vector<16xf32> to vector<16xf32>
        %swap3A_278 = vector.shape_cast %get3A_274 : vector<16xf32> to vector<16xf32>
        tpu.vector_store %arg7[%swap3A_275], %swap3A_278 {add = true, strides = array<i32>} : memref<16384xf32, #tpu.memory_space<vmem>>, vector<16xf32>,
        %mul3A_279 = arith.constant 128 : i32
        %mul3A_280 = arith.muli %add3A_254, %mul3A_279 : i32
        %add3A_281 = arith.constant 32 : i32
        %add3A_282 = arith.addi %mul3A_280, %add3A_281 : i32
        %get3A_283 = arith.index_cast %add3A_254 : i32 to index
        %get3A_284 = arith.constant 32 : index
        %get3A_285 = tpu.vector_load %arg9[%get3A_283, %get3A_284] {strides = array<i32>} : memref<128x128xf32, #tpu.memory_space<vmem>>, vector<1x16xf32>,
        %get3A_286 = vector.shape_cast %get3A_285 : vector<1x16xf32> to vector<16xf32>
        %swap3A_287 = arith.index_cast %add3A_282 : i32 to index
        %swap3A_288 = tpu.vector_load %arg7[%swap3A_287] {strides = array<i32>} : memref<16384xf32, #tpu.memory_space<vmem>>, vector<16xf32>,
        %swap3A_289 = vector.shape_cast %swap3A_288 : vector<16xf32> to vector<16xf32>
        %swap3A_290 = vector.shape_cast %get3A_286 : vector<16xf32> to vector<16xf32>
        tpu.vector_store %arg7[%swap3A_287], %swap3A_290 {add = true, strides = array<i32>} : memref<16384xf32, #tpu.memory_space<vmem>>, vector<16xf32>,
        %mul3A_291 = arith.constant 128 : i32
        %mul3A_292 = arith.muli %add3A_254, %mul3A_291 : i32
        %add3A_293 = arith.constant 48 : i32
        %add3A_294 = arith.addi %mul3A_292, %add3A_293 : i32
        %get3A_295 = arith.index_cast %add3A_254 : i32 to index
        %get3A_296 = arith.constant 48 : index
        %get3A_297 = tpu.vector_load %arg9[%get3A_295, %get3A_296] {strides = array<i32>} : memref<128x128xf32, #tpu.memory_space<vmem>>, vector<1x16xf32>,
        %get3A_298 = vector.shape_cast %get3A_297 : vector<1x16xf32> to vector<16xf32>
        %swap3A_299 = arith.index_cast %add3A_294 : i32 to index
        %swap3A_300 = tpu.vector_load %arg7[%swap3A_299] {strides = array<i32>} : memref<16384xf32, #tpu.memory_space<vmem>>, vector<16xf32>,
        %swap3A_301 = vector.shape_cast %swap3A_300 : vector<16xf32> to vector<16xf32>
        %swap3A_302 = vector.shape_cast %get3A_298 : vector<16xf32> to vector<16xf32>
        tpu.vector_store %arg7[%swap3A_299], %swap3A_302 {add = true, strides = array<i32>} : memref<16384xf32, #tpu.memory_space<vmem>>, vector<16xf32>,
        %mul3A_303 = arith.constant 128 : i32
        %mul3A_304 = arith.muli %add3A_254, %mul3A_303 : i32
        %add3A_305 = arith.constant 64 : i32
        %add3A_306 = arith.addi %mul3A_304, %add3A_305 : i32
        %get3A_307 = arith.index_cast %add3A_254 : i32 to index
        %get3A_308 = arith.constant 64 : index
        %get3A_309 = tpu.vector_load %arg9[%get3A_307, %get3A_308] {strides = array<i32>} : memref<128x128xf32, #tpu.memory_space<vmem>>, vector<1x16xf32>,
        %get3A_310 = vector.shape_cast %get3A_309 : vector<1x16xf32> to vector<16xf32>
        %swap3A_311 = arith.index_cast %add3A_306 : i32 to index
        %swap3A_312 = tpu.vector_load %arg7[%swap3A_311] {strides = array<i32>} : memref<16384xf32, #tpu.memory_space<vmem>>, vector<16xf32>,
        %swap3A_313 = vector.shape_cast %swap3A_312 : vector<16xf32> to vector<16xf32>
        %swap3A_314 = vector.shape_cast %get3A_310 : vector<16xf32> to vector<16xf32>
        tpu.vector_store %arg7[%swap3A_311], %swap3A_314 {add = true, strides = array<i32>} : memref<16384xf32, #tpu.memory_space<vmem>>, vector<16xf32>,
        %mul3A_315 = arith.constant 128 : i32
        %mul3A_316 = arith.muli %add3A_254, %mul3A_315 : i32
        %add3A_317 = arith.constant 80 : i32
        %add3A_318 = arith.addi %mul3A_316, %add3A_317 : i32
        %get3A_319 = arith.index_cast %add3A_254 : i32 to index
        %get3A_320 = arith.constant 80 : index
        %get3A_321 = tpu.vector_load %arg9[%get3A_319, %get3A_320] {strides = array<i32>} : memref<128x128xf32, #tpu.memory_space<vmem>>, vector<1x16xf32>,
        %get3A_322 = vector.shape_cast %get3A_321 : vector<1x16xf32> to vector<16xf32>
        %swap3A_323 = arith.index_cast %add3A_318 : i32 to index
        %swap3A_324 = tpu.vector_load %arg7[%swap3A_323] {strides = array<i32>} : memref<16384xf32, #tpu.memory_space<vmem>>, vector<16xf32>,
        %swap3A_325 = vector.shape_cast %swap3A_324 : vector<16xf32> to vector<16xf32>
        %swap3A_326 = vector.shape_cast %get3A_322 : vector<16xf32> to vector<16xf32>
        tpu.vector_store %arg7[%swap3A_323], %swap3A_326 {add = true, strides = array<i32>} : memref<16384xf32, #tpu.memory_space<vmem>>, vector<16xf32>,
        %mul3A_327 = arith.constant 128 : i32
        %mul3A_328 = arith.muli %add3A_254, %mul3A_327 : i32
        %add3A_329 = arith.constant 96 : i32
        %add3A_330 = arith.addi %mul3A_328, %add3A_329 : i32
        %get3A_331 = arith.index_cast %add3A_254 : i32 to index
        %get3A_332 = arith.constant 96 : index
        %get3A_333 = tpu.vector_load %arg9[%get3A_331, %get3A_332] {strides = array<i32>} : memref<128x128xf32, #tpu.memory_space<vmem>>, vector<1x16xf32>,
        %get3A_334 = vector.shape_cast %get3A_333 : vector<1x16xf32> to vector<16xf32>
        %swap3A_335 = arith.index_cast %add3A_330 : i32 to index
        %swap3A_336 = tpu.vector_load %arg7[%swap3A_335] {strides = array<i32>} : memref<16384xf32, #tpu.memory_space<vmem>>, vector<16xf32>,
        %swap3A_337 = vector.shape_cast %swap3A_336 : vector<16xf32> to vector<16xf32>
        %swap3A_338 = vector.shape_cast %get3A_334 : vector<16xf32> to vector<16xf32>
        tpu.vector_store %arg7[%swap3A_335], %swap3A_338 {add = true, strides = array<i32>} : memref<16384xf32, #tpu.memory_space<vmem>>, vector<16xf32>,
        %mul3A_339 = arith.constant 128 : i32
        %mul3A_340 = arith.muli %add3A_254, %mul3A_339 : i32
        %add3A_341 = arith.constant 112 : i32
        %add3A_342 = arith.addi %mul3A_340, %add3A_341 : i32
        %get3A_343 = arith.index_cast %add3A_254 : i32 to index
        %get3A_344 = arith.constant 112 : index
        %get3A_345 = tpu.vector_load %arg9[%get3A_343, %get3A_344] {strides = array<i32>} : memref<128x128xf32, #tpu.memory_space<vmem>>, vector<1x16xf32>,
        %get3A_346 = vector.shape_cast %get3A_345 : vector<1x16xf32> to vector<16xf32>
        %swap3A_347 = arith.index_cast %add3A_342 : i32 to index
        %swap3A_348 = tpu.vector_load %arg7[%swap3A_347] {strides = array<i32>} : memref<16384xf32, #tpu.memory_space<vmem>>, vector<16xf32>,
        %swap3A_349 = vector.shape_cast %swap3A_348 : vector<16xf32> to vector<16xf32>
        %swap3A_350 = vector.shape_cast %get3A_346 : vector<16xf32> to vector<16xf32>
        tpu.vector_store %arg7[%swap3A_347], %swap3A_350 {add = true, strides = array<i32>} : memref<16384xf32, #tpu.memory_space<vmem>>, vector<16xf32>,
      }
      %scan3A_87 = arith.constant 64 : i32
      %mul3A_88 = arith.constant 128 : i32
      %mul3A_89 = arith.muli %add3A_42, %mul3A_88 : i32
      %add3A_90 = arith.addi %mul3A_2, %mul3A_89 : i32
      %mul3A_91 = arith.constant 128 : i32
      %mul3A_92 = arith.muli %add3A_90, %mul3A_91 : i32
      %dma_start3A_93 = tpu.memref_slice %arg6[%mul3A_92] : memref<104857600xf32, #tpu.memory_space<hbm>> -> memref<16384xf32, #tpu.memory_space<hbm>>
      %dma_start3A_94 = tpu.memref_slice %arg6[%mul3A_92] : memref<104857600xf32, #tpu.memory_space<hbm>> -> memref<16384xf32, #tpu.memory_space<hbm>>
      tpu.enqueue_dma source(%arg7 : memref<16384xf32, #tpu.memory_space<vmem>>) target(%dma_start3A_94 : memref<16384xf32, #tpu.memory_space<hbm>>) target_semaphore(%arg22 : memref<!tpu.dma_semaphore, #tpu.memory_space<semaphore_mem>>)
      %mul3A_95 = arith.constant 2 : i32
      %mul3A_96 = arith.muli %scan3A_38, %mul3A_95 : i32
      %add3A_97 = arith.constant 1 : i32
      %add3A_98 = arith.addi %mul3A_96, %add3A_97 : i32
      %mul3A_99 = arith.constant 128 : i32
      %mul3A_100 = arith.muli %add3A_98, %mul3A_99 : i32
      %add3A_101 = arith.addi %mul3A_2, %mul3A_100 : i32
      %dma_wait3A_102 = tpu.memref_slice %arg3[%add3A_101] : memref<819200xi32, #tpu.memory_space<hbm>> -> memref<128xi32, #tpu.memory_space<hbm>>
      %dma_wait3A_103 = tpu.memref_slice %arg3[%add3A_101] : memref<819200xi32, #tpu.memory_space<hbm>> -> memref<128xi32, #tpu.memory_space<hbm>>
      tpu.wait_dma2 semaphore(%arg21 : memref<!tpu.dma_semaphore, #tpu.memory_space<semaphore_mem>>) src(%dma_wait3A_103 : memref<128xi32, #tpu.memory_space<hbm>>) dst(%arg12 : memref<128xi32, #tpu.memory_space<vmem>>)
      %dma_wait3A_104 = tpu.memref_slice %arg4[%add3A_101] : memref<819200xi32, #tpu.memory_space<hbm>> -> memref<128xi32, #tpu.memory_space<hbm>>
      %dma_wait3A_105 = tpu.memref_slice %arg4[%add3A_101] : memref<819200xi32, #tpu.memory_space<hbm>> -> memref<128xi32, #tpu.memory_space<hbm>>
      tpu.wait_dma2 semaphore(%arg21 : memref<!tpu.dma_semaphore, #tpu.memory_space<semaphore_mem>>) src(%dma_wait3A_105 : memref<128xi32, #tpu.memory_space<hbm>>) dst(%arg14 : memref<128xi32, #tpu.memory_space<vmem>>)
      %scan3A_106 = arith.constant 0 : i32
      %scan3A_107 = arith.constant 0 : i32
      %scan3A_108 = arith.constant 8 : i32
      %scan3A_109 = arith.addi %scan3A_107, %scan3A_108 : i32
      %scan3A_110 = arith.constant 1 : i32
      scf.for %scan3A_152 = %scan3A_107 to %scan3A_109 step %scan3A_110  : i32 {
        %mul3A_153 = arith.constant 16 : i32
        %mul3A_154 = arith.muli %scan3A_152, %mul3A_153 : i32
        %get3A = arith.index_cast %mul3A_154 : i32 to index
        %get3A_155 = tpu.vector_load %arg12[%get3A] {strides = array<i32>} : memref<128xi32, #tpu.memory_space<vmem>>, vector<16xi32>,
        %get3A_156 = vector.shape_cast %get3A_155 : vector<16xi32> to vector<16xi32>
        %mul3A_157 = arith.constant 6 : i32
        %mul3A_158 = vector.broadcast %mul3A_157 : i32 to vector<16xi32>
        %mul3A_159 = arith.muli %get3A_156, %mul3A_158 : vector<16xi32>
        %get3A_160 = arith.index_cast %mul3A_154 : i32 to index
        %get3A_161 = tpu.vector_load %arg14[%get3A_160] {strides = array<i32>} : memref<128xi32, #tpu.memory_space<vmem>>, vector<16xi32>,
        %get3A_162 = vector.shape_cast %get3A_161 : vector<16xi32> to vector<16xi32>
        %add3A_163 = arith.addi %mul3A_159, %get3A_162 : vector<16xi32>
        %swap3A = arith.index_cast %mul3A_154 : i32 to index
        %swap3A_164 = tpu.vector_load %arg16[%swap3A] {strides = array<i32>} : memref<128xi32, #tpu.memory_space<vmem>>, vector<16xi32>,
        %swap3A_165 = vector.shape_cast %swap3A_164 : vector<16xi32> to vector<16xi32>
        %swap3A_166 = vector.shape_cast %add3A_163 : vector<16xi32> to vector<16xi32>
        tpu.vector_store %arg16[%swap3A], %swap3A_166 {strides = array<i32>} : memref<128xi32, #tpu.memory_space<vmem>>, vector<16xi32>,
      }
      %scan3A_111 = arith.constant 8 : i32
      %dma_start3A_112 = arith.constant 0 : i32
      %dma_start3A_113 = arith.constant 0 : i32
      %dma_start3A_114 = tpu.memref_slice %arg17[%dma_start3A_112, %dma_start3A_113] : memref<120x128xf32, #tpu.memory_space<vmem_shared>> -> memref<120x128xf32, #tpu.memory_space<vmem_shared>>
      tpu.enqueue_indirect_dma source(%dma_start3A_114 : memref<120x128xf32, #tpu.memory_space<vmem_shared>>) target(%arg10 : memref<128x128xf32, #tpu.memory_space<vmem>>) offsets(%arg16 : memref<128xi32, #tpu.memory_space<vmem>>) semaphore(%arg24 : memref<!tpu.dma_semaphore, #tpu.memory_space<semaphore_mem>>)
      %add3A_115 = arith.constant 2 : i32
      %add3A_116 = arith.addi %add3A_98, %add3A_115 : i32
      %lt3A_117 = arith.constant 200 : i32
      %lt3A_118 = arith.cmpi slt, %add3A_116, %lt3A_117 : i32
      %convert_element_type3A_119 = arith.extui %lt3A_118 : i1 to i32
      %cond3A_120 = arith.constant 0 : i32
      %cond3A_121 = arith.cmpi ne, %convert_element_type3A_119, %cond3A_120 : i32
      scf.if %cond3A_121 {
        %add3A_152 = arith.constant 2 : i32
        %add3A_153 = arith.addi %add3A_98, %add3A_152 : i32
        %mul3A_154 = arith.constant 128 : i32
        %mul3A_155 = arith.muli %add3A_153, %mul3A_154 : i32
        %add3A_156 = arith.addi %mul3A_2, %mul3A_155 : i32
        %dma_start3A_157 = tpu.memref_slice %arg3[%add3A_156] : memref<819200xi32, #tpu.memory_space<hbm>> -> memref<128xi32, #tpu.memory_space<hbm>>
        %dma_start3A_158 = tpu.memref_slice %arg3[%add3A_156] : memref<819200xi32, #tpu.memory_space<hbm>> -> memref<128xi32, #tpu.memory_space<hbm>>
        tpu.enqueue_dma source(%dma_start3A_158 : memref<128xi32, #tpu.memory_space<hbm>>) target(%arg12 : memref<128xi32, #tpu.memory_space<vmem>>) target_semaphore(%arg21 : memref<!tpu.dma_semaphore, #tpu.memory_space<semaphore_mem>>)
        %dma_start3A_159 = tpu.memref_slice %arg4[%add3A_156] : memref<819200xi32, #tpu.memory_space<hbm>> -> memref<128xi32, #tpu.memory_space<hbm>>
        %dma_start3A_160 = tpu.memref_slice %arg4[%add3A_156] : memref<819200xi32, #tpu.memory_space<hbm>> -> memref<128xi32, #tpu.memory_space<hbm>>
        tpu.enqueue_dma source(%dma_start3A_160 : memref<128xi32, #tpu.memory_space<hbm>>) target(%arg14 : memref<128xi32, #tpu.memory_space<vmem>>) target_semaphore(%arg21 : memref<!tpu.dma_semaphore, #tpu.memory_space<semaphore_mem>>)
      } else {
      }
      %add3A_122 = arith.constant 1 : i32
      %add3A_123 = arith.addi %add3A_98, %add3A_122 : i32
      %lt3A_124 = arith.constant 200 : i32
      %lt3A_125 = arith.cmpi slt, %add3A_123, %lt3A_124 : i32
      %convert_element_type3A_126 = arith.extui %lt3A_125 : i1 to i32
      %cond3A_127 = arith.constant 0 : i32
      %cond3A_128 = arith.cmpi ne, %convert_element_type3A_126, %cond3A_127 : i32
      scf.if %cond3A_128 {
        %ge3A = arith.constant 1 : i32
        %ge3A_152 = arith.cmpi sge, %add3A_98, %ge3A : i32
        %convert_element_type3A_153 = arith.extui %ge3A_152 : i1 to i32
        %cond3A_154 = arith.constant 0 : i32
        %cond3A_155 = arith.cmpi ne, %convert_element_type3A_153, %cond3A_154 : i32
        scf.if %cond3A_155 {
          %sub3A = arith.constant 1 : i32
          %sub3A_165 = arith.subi %add3A_98, %sub3A : i32
          %mul3A_166 = arith.constant 128 : i32
          %mul3A_167 = arith.muli %sub3A_165, %mul3A_166 : i32
          %add3A_168 = arith.addi %mul3A_2, %mul3A_167 : i32
          %mul3A_169 = arith.constant 128 : i32
          %mul3A_170 = arith.muli %add3A_168, %mul3A_169 : i32
          %dma_wait3A_171 = tpu.memref_slice %arg6[%mul3A_170] : memref<104857600xf32, #tpu.memory_space<hbm>> -> memref<16384xf32, #tpu.memory_space<hbm>>
          %dma_wait3A_172 = tpu.memref_slice %arg6[%mul3A_170] : memref<104857600xf32, #tpu.memory_space<hbm>> -> memref<16384xf32, #tpu.memory_space<hbm>>
          tpu.wait_dma2 semaphore(%arg22 : memref<!tpu.dma_semaphore, #tpu.memory_space<semaphore_mem>>) src(%arg7 : memref<16384xf32, #tpu.memory_space<vmem>>) dst(%dma_wait3A_172 : memref<16384xf32, #tpu.memory_space<hbm>>)
        } else {
        }
        %add3A_156 = arith.constant 1 : i32
        %add3A_157 = arith.addi %add3A_98, %add3A_156 : i32
        %mul3A_158 = arith.constant 128 : i32
        %mul3A_159 = arith.muli %add3A_157, %mul3A_158 : i32
        %add3A_160 = arith.addi %mul3A_2, %mul3A_159 : i32
        %mul3A_161 = arith.constant 128 : i32
        %mul3A_162 = arith.muli %add3A_160, %mul3A_161 : i32
        %dma_start3A_163 = tpu.memref_slice %arg2[%mul3A_162] : memref<104857600xf32, #tpu.memory_space<hbm>> -> memref<16384xf32, #tpu.memory_space<hbm>>
        %dma_start3A_164 = tpu.memref_slice %arg2[%mul3A_162] : memref<104857600xf32, #tpu.memory_space<hbm>> -> memref<16384xf32, #tpu.memory_space<hbm>>
        tpu.enqueue_dma source(%dma_start3A_164 : memref<16384xf32, #tpu.memory_space<hbm>>) target(%arg7 : memref<16384xf32, #tpu.memory_space<vmem>>) target_semaphore(%arg18 : memref<!tpu.dma_semaphore, #tpu.memory_space<semaphore_mem>>)
      } else {
      }
      %mul3A_129 = arith.constant 128 : i32
      %mul3A_130 = arith.muli %add3A_98, %mul3A_129 : i32
      %add3A_131 = arith.addi %mul3A_2, %mul3A_130 : i32
      %mul3A_132 = arith.constant 128 : i32
      %mul3A_133 = arith.muli %add3A_131, %mul3A_132 : i32
      %dma_wait3A_134 = tpu.memref_slice %arg2[%mul3A_133] : memref<104857600xf32, #tpu.memory_space<hbm>> -> memref<16384xf32, #tpu.memory_space<hbm>>
      %dma_wait3A_135 = tpu.memref_slice %arg2[%mul3A_133] : memref<104857600xf32, #tpu.memory_space<hbm>> -> memref<16384xf32, #tpu.memory_space<hbm>>
      tpu.wait_dma2 semaphore(%arg19 : memref<!tpu.dma_semaphore, #tpu.memory_space<semaphore_mem>>) src(%dma_wait3A_135 : memref<16384xf32, #tpu.memory_space<hbm>>) dst(%arg8 : memref<16384xf32, #tpu.memory_space<vmem>>)
      %dma_wait3A_136 = arith.constant 0 : i32
      %dma_wait3A_137 = arith.constant 0 : i32
      %dma_wait3A_138 = tpu.memref_slice %arg17[%dma_wait3A_136, %dma_wait3A_137] : memref<120x128xf32, #tpu.memory_space<vmem_shared>> -> memref<120x128xf32, #tpu.memory_space<vmem_shared>>
      tpu.wait_indirect_dma semaphore(%arg24 : memref<!tpu.dma_semaphore, #tpu.memory_space<semaphore_mem>>) src(%dma_wait3A_138 : memref<120x128xf32, #tpu.memory_space<vmem_shared>>) dst(%arg10 : memref<128x128xf32, #tpu.memory_space<vmem>>)
      %scan3A_139 = arith.constant 0 : i32
      %scan3A_140 = arith.constant 0 : i32
      %scan3A_141 = arith.constant 64 : i32
      %scan3A_142 = arith.addi %scan3A_140, %scan3A_141 : i32
      %scan3A_143 = arith.constant 1 : i32
      scf.for %scan3A_152 = %scan3A_140 to %scan3A_142 step %scan3A_143  : i32 {
        %mul3A_153 = arith.constant 2 : i32
        %mul3A_154 = arith.muli %scan3A_152, %mul3A_153 : i32
        %add3A_155 = arith.constant 0 : i32
        %add3A_156 = arith.addi %mul3A_154, %add3A_155 : i32
        %mul3A_157 = arith.constant 128 : i32
        %mul3A_158 = arith.muli %add3A_156, %mul3A_157 : i32
        %add3A_159 = arith.constant 0 : i32
        %add3A_160 = arith.addi %mul3A_158, %add3A_159 : i32
        %get3A = arith.index_cast %add3A_156 : i32 to index
        %get3A_161 = arith.constant 0 : index
        %get3A_162 = tpu.vector_load %arg10[%get3A, %get3A_161] {strides = array<i32>} : memref<128x128xf32, #tpu.memory_space<vmem>>, vector<1x16xf32>,
        %get3A_163 = vector.shape_cast %get3A_162 : vector<1x16xf32> to vector<16xf32>
        %swap3A = arith.index_cast %add3A_160 : i32 to index
        %swap3A_164 = tpu.vector_load %arg8[%swap3A] {strides = array<i32>} : memref<16384xf32, #tpu.memory_space<vmem>>, vector<16xf32>,
        %swap3A_165 = vector.shape_cast %swap3A_164 : vector<16xf32> to vector<16xf32>
        %swap3A_166 = vector.shape_cast %get3A_163 : vector<16xf32> to vector<16xf32>
        tpu.vector_store %arg8[%swap3A], %swap3A_166 {add = true, strides = array<i32>} : memref<16384xf32, #tpu.memory_space<vmem>>, vector<16xf32>,
        %mul3A_167 = arith.constant 128 : i32
        %mul3A_168 = arith.muli %add3A_156, %mul3A_167 : i32
        %add3A_169 = arith.constant 16 : i32
        %add3A_170 = arith.addi %mul3A_168, %add3A_169 : i32
        %get3A_171 = arith.index_cast %add3A_156 : i32 to index
        %get3A_172 = arith.constant 16 : index
        %get3A_173 = tpu.vector_load %arg10[%get3A_171, %get3A_172] {strides = array<i32>} : memref<128x128xf32, #tpu.memory_space<vmem>>, vector<1x16xf32>,
        %get3A_174 = vector.shape_cast %get3A_173 : vector<1x16xf32> to vector<16xf32>
        %swap3A_175 = arith.index_cast %add3A_170 : i32 to index
        %swap3A_176 = tpu.vector_load %arg8[%swap3A_175] {strides = array<i32>} : memref<16384xf32, #tpu.memory_space<vmem>>, vector<16xf32>,
        %swap3A_177 = vector.shape_cast %swap3A_176 : vector<16xf32> to vector<16xf32>
        %swap3A_178 = vector.shape_cast %get3A_174 : vector<16xf32> to vector<16xf32>
        tpu.vector_store %arg8[%swap3A_175], %swap3A_178 {add = true, strides = array<i32>} : memref<16384xf32, #tpu.memory_space<vmem>>, vector<16xf32>,
        %mul3A_179 = arith.constant 128 : i32
        %mul3A_180 = arith.muli %add3A_156, %mul3A_179 : i32
        %add3A_181 = arith.constant 32 : i32
        %add3A_182 = arith.addi %mul3A_180, %add3A_181 : i32
        %get3A_183 = arith.index_cast %add3A_156 : i32 to index
        %get3A_184 = arith.constant 32 : index
        %get3A_185 = tpu.vector_load %arg10[%get3A_183, %get3A_184] {strides = array<i32>} : memref<128x128xf32, #tpu.memory_space<vmem>>, vector<1x16xf32>,
        %get3A_186 = vector.shape_cast %get3A_185 : vector<1x16xf32> to vector<16xf32>
        %swap3A_187 = arith.index_cast %add3A_182 : i32 to index
        %swap3A_188 = tpu.vector_load %arg8[%swap3A_187] {strides = array<i32>} : memref<16384xf32, #tpu.memory_space<vmem>>, vector<16xf32>,
        %swap3A_189 = vector.shape_cast %swap3A_188 : vector<16xf32> to vector<16xf32>
        %swap3A_190 = vector.shape_cast %get3A_186 : vector<16xf32> to vector<16xf32>
        tpu.vector_store %arg8[%swap3A_187], %swap3A_190 {add = true, strides = array<i32>} : memref<16384xf32, #tpu.memory_space<vmem>>, vector<16xf32>,
        %mul3A_191 = arith.constant 128 : i32
        %mul3A_192 = arith.muli %add3A_156, %mul3A_191 : i32
        %add3A_193 = arith.constant 48 : i32
        %add3A_194 = arith.addi %mul3A_192, %add3A_193 : i32
        %get3A_195 = arith.index_cast %add3A_156 : i32 to index
        %get3A_196 = arith.constant 48 : index
        %get3A_197 = tpu.vector_load %arg10[%get3A_195, %get3A_196] {strides = array<i32>} : memref<128x128xf32, #tpu.memory_space<vmem>>, vector<1x16xf32>,
        %get3A_198 = vector.shape_cast %get3A_197 : vector<1x16xf32> to vector<16xf32>
        %swap3A_199 = arith.index_cast %add3A_194 : i32 to index
        %swap3A_200 = tpu.vector_load %arg8[%swap3A_199] {strides = array<i32>} : memref<16384xf32, #tpu.memory_space<vmem>>, vector<16xf32>,
        %swap3A_201 = vector.shape_cast %swap3A_200 : vector<16xf32> to vector<16xf32>
        %swap3A_202 = vector.shape_cast %get3A_198 : vector<16xf32> to vector<16xf32>
        tpu.vector_store %arg8[%swap3A_199], %swap3A_202 {add = true, strides = array<i32>} : memref<16384xf32, #tpu.memory_space<vmem>>, vector<16xf32>,
        %mul3A_203 = arith.constant 128 : i32
        %mul3A_204 = arith.muli %add3A_156, %mul3A_203 : i32
        %add3A_205 = arith.constant 64 : i32
        %add3A_206 = arith.addi %mul3A_204, %add3A_205 : i32
        %get3A_207 = arith.index_cast %add3A_156 : i32 to index
        %get3A_208 = arith.constant 64 : index
        %get3A_209 = tpu.vector_load %arg10[%get3A_207, %get3A_208] {strides = array<i32>} : memref<128x128xf32, #tpu.memory_space<vmem>>, vector<1x16xf32>,
        %get3A_210 = vector.shape_cast %get3A_209 : vector<1x16xf32> to vector<16xf32>
        %swap3A_211 = arith.index_cast %add3A_206 : i32 to index
        %swap3A_212 = tpu.vector_load %arg8[%swap3A_211] {strides = array<i32>} : memref<16384xf32, #tpu.memory_space<vmem>>, vector<16xf32>,
        %swap3A_213 = vector.shape_cast %swap3A_212 : vector<16xf32> to vector<16xf32>
        %swap3A_214 = vector.shape_cast %get3A_210 : vector<16xf32> to vector<16xf32>
        tpu.vector_store %arg8[%swap3A_211], %swap3A_214 {add = true, strides = array<i32>} : memref<16384xf32, #tpu.memory_space<vmem>>, vector<16xf32>,
        %mul3A_215 = arith.constant 128 : i32
        %mul3A_216 = arith.muli %add3A_156, %mul3A_215 : i32
        %add3A_217 = arith.constant 80 : i32
        %add3A_218 = arith.addi %mul3A_216, %add3A_217 : i32
        %get3A_219 = arith.index_cast %add3A_156 : i32 to index
        %get3A_220 = arith.constant 80 : index
        %get3A_221 = tpu.vector_load %arg10[%get3A_219, %get3A_220] {strides = array<i32>} : memref<128x128xf32, #tpu.memory_space<vmem>>, vector<1x16xf32>,
        %get3A_222 = vector.shape_cast %get3A_221 : vector<1x16xf32> to vector<16xf32>
        %swap3A_223 = arith.index_cast %add3A_218 : i32 to index
        %swap3A_224 = tpu.vector_load %arg8[%swap3A_223] {strides = array<i32>} : memref<16384xf32, #tpu.memory_space<vmem>>, vector<16xf32>,
        %swap3A_225 = vector.shape_cast %swap3A_224 : vector<16xf32> to vector<16xf32>
        %swap3A_226 = vector.shape_cast %get3A_222 : vector<16xf32> to vector<16xf32>
        tpu.vector_store %arg8[%swap3A_223], %swap3A_226 {add = true, strides = array<i32>} : memref<16384xf32, #tpu.memory_space<vmem>>, vector<16xf32>,
        %mul3A_227 = arith.constant 128 : i32
        %mul3A_228 = arith.muli %add3A_156, %mul3A_227 : i32
        %add3A_229 = arith.constant 96 : i32
        %add3A_230 = arith.addi %mul3A_228, %add3A_229 : i32
        %get3A_231 = arith.index_cast %add3A_156 : i32 to index
        %get3A_232 = arith.constant 96 : index
        %get3A_233 = tpu.vector_load %arg10[%get3A_231, %get3A_232] {strides = array<i32>} : memref<128x128xf32, #tpu.memory_space<vmem>>, vector<1x16xf32>,
        %get3A_234 = vector.shape_cast %get3A_233 : vector<1x16xf32> to vector<16xf32>
        %swap3A_235 = arith.index_cast %add3A_230 : i32 to index
        %swap3A_236 = tpu.vector_load %arg8[%swap3A_235] {strides = array<i32>} : memref<16384xf32, #tpu.memory_space<vmem>>, vector<16xf32>,
        %swap3A_237 = vector.shape_cast %swap3A_236 : vector<16xf32> to vector<16xf32>
        %swap3A_238 = vector.shape_cast %get3A_234 : vector<16xf32> to vector<16xf32>
        tpu.vector_store %arg8[%swap3A_235], %swap3A_238 {add = true, strides = array<i32>} : memref<16384xf32, #tpu.memory_space<vmem>>, vector<16xf32>,
        %mul3A_239 = arith.constant 128 : i32
        %mul3A_240 = arith.muli %add3A_156, %mul3A_239 : i32
        %add3A_241 = arith.constant 112 : i32
        %add3A_242 = arith.addi %mul3A_240, %add3A_241 : i32
        %get3A_243 = arith.index_cast %add3A_156 : i32 to index
        %get3A_244 = arith.constant 112 : index
        %get3A_245 = tpu.vector_load %arg10[%get3A_243, %get3A_244] {strides = array<i32>} : memref<128x128xf32, #tpu.memory_space<vmem>>, vector<1x16xf32>,
        %get3A_246 = vector.shape_cast %get3A_245 : vector<1x16xf32> to vector<16xf32>
        %swap3A_247 = arith.index_cast %add3A_242 : i32 to index
        %swap3A_248 = tpu.vector_load %arg8[%swap3A_247] {strides = array<i32>} : memref<16384xf32, #tpu.memory_space<vmem>>, vector<16xf32>,
        %swap3A_249 = vector.shape_cast %swap3A_248 : vector<16xf32> to vector<16xf32>
        %swap3A_250 = vector.shape_cast %get3A_246 : vector<16xf32> to vector<16xf32>
        tpu.vector_store %arg8[%swap3A_247], %swap3A_250 {add = true, strides = array<i32>} : memref<16384xf32, #tpu.memory_space<vmem>>, vector<16xf32>,
        %mul3A_251 = arith.constant 2 : i32
        %mul3A_252 = arith.muli %scan3A_152, %mul3A_251 : i32
        %add3A_253 = arith.constant 1 : i32
        %add3A_254 = arith.addi %mul3A_252, %add3A_253 : i32
        %mul3A_255 = arith.constant 128 : i32
        %mul3A_256 = arith.muli %add3A_254, %mul3A_255 : i32
        %add3A_257 = arith.constant 0 : i32
        %add3A_258 = arith.addi %mul3A_256, %add3A_257 : i32
        %get3A_259 = arith.index_cast %add3A_254 : i32 to index
        %get3A_260 = arith.constant 0 : index
        %get3A_261 = tpu.vector_load %arg10[%get3A_259, %get3A_260] {strides = array<i32>} : memref<128x128xf32, #tpu.memory_space<vmem>>, vector<1x16xf32>,
        %get3A_262 = vector.shape_cast %get3A_261 : vector<1x16xf32> to vector<16xf32>
        %swap3A_263 = arith.index_cast %add3A_258 : i32 to index
        %swap3A_264 = tpu.vector_load %arg8[%swap3A_263] {strides = array<i32>} : memref<16384xf32, #tpu.memory_space<vmem>>, vector<16xf32>,
        %swap3A_265 = vector.shape_cast %swap3A_264 : vector<16xf32> to vector<16xf32>
        %swap3A_266 = vector.shape_cast %get3A_262 : vector<16xf32> to vector<16xf32>
        tpu.vector_store %arg8[%swap3A_263], %swap3A_266 {add = true, strides = array<i32>} : memref<16384xf32, #tpu.memory_space<vmem>>, vector<16xf32>,
        %mul3A_267 = arith.constant 128 : i32
        %mul3A_268 = arith.muli %add3A_254, %mul3A_267 : i32
        %add3A_269 = arith.constant 16 : i32
        %add3A_270 = arith.addi %mul3A_268, %add3A_269 : i32
        %get3A_271 = arith.index_cast %add3A_254 : i32 to index
        %get3A_272 = arith.constant 16 : index
        %get3A_273 = tpu.vector_load %arg10[%get3A_271, %get3A_272] {strides = array<i32>} : memref<128x128xf32, #tpu.memory_space<vmem>>, vector<1x16xf32>,
        %get3A_274 = vector.shape_cast %get3A_273 : vector<1x16xf32> to vector<16xf32>
        %swap3A_275 = arith.index_cast %add3A_270 : i32 to index
        %swap3A_276 = tpu.vector_load %arg8[%swap3A_275] {strides = array<i32>} : memref<16384xf32, #tpu.memory_space<vmem>>, vector<16xf32>,
        %swap3A_277 = vector.shape_cast %swap3A_276 : vector<16xf32> to vector<16xf32>
        %swap3A_278 = vector.shape_cast %get3A_274 : vector<16xf32> to vector<16xf32>
        tpu.vector_store %arg8[%swap3A_275], %swap3A_278 {add = true, strides = array<i32>} : memref<16384xf32, #tpu.memory_space<vmem>>, vector<16xf32>,
        %mul3A_279 = arith.constant 128 : i32
        %mul3A_280 = arith.muli %add3A_254, %mul3A_279 : i32
        %add3A_281 = arith.constant 32 : i32
        %add3A_282 = arith.addi %mul3A_280, %add3A_281 : i32
        %get3A_283 = arith.index_cast %add3A_254 : i32 to index
        %get3A_284 = arith.constant 32 : index
        %get3A_285 = tpu.vector_load %arg10[%get3A_283, %get3A_284] {strides = array<i32>} : memref<128x128xf32, #tpu.memory_space<vmem>>, vector<1x16xf32>,
        %get3A_286 = vector.shape_cast %get3A_285 : vector<1x16xf32> to vector<16xf32>
        %swap3A_287 = arith.index_cast %add3A_282 : i32 to index
        %swap3A_288 = tpu.vector_load %arg8[%swap3A_287] {strides = array<i32>} : memref<16384xf32, #tpu.memory_space<vmem>>, vector<16xf32>,
        %swap3A_289 = vector.shape_cast %swap3A_288 : vector<16xf32> to vector<16xf32>
        %swap3A_290 = vector.shape_cast %get3A_286 : vector<16xf32> to vector<16xf32>
        tpu.vector_store %arg8[%swap3A_287], %swap3A_290 {add = true, strides = array<i32>} : memref<16384xf32, #tpu.memory_space<vmem>>, vector<16xf32>,
        %mul3A_291 = arith.constant 128 : i32
        %mul3A_292 = arith.muli %add3A_254, %mul3A_291 : i32
        %add3A_293 = arith.constant 48 : i32
        %add3A_294 = arith.addi %mul3A_292, %add3A_293 : i32
        %get3A_295 = arith.index_cast %add3A_254 : i32 to index
        %get3A_296 = arith.constant 48 : index
        %get3A_297 = tpu.vector_load %arg10[%get3A_295, %get3A_296] {strides = array<i32>} : memref<128x128xf32, #tpu.memory_space<vmem>>, vector<1x16xf32>,
        %get3A_298 = vector.shape_cast %get3A_297 : vector<1x16xf32> to vector<16xf32>
        %swap3A_299 = arith.index_cast %add3A_294 : i32 to index
        %swap3A_300 = tpu.vector_load %arg8[%swap3A_299] {strides = array<i32>} : memref<16384xf32, #tpu.memory_space<vmem>>, vector<16xf32>,
        %swap3A_301 = vector.shape_cast %swap3A_300 : vector<16xf32> to vector<16xf32>
        %swap3A_302 = vector.shape_cast %get3A_298 : vector<16xf32> to vector<16xf32>
        tpu.vector_store %arg8[%swap3A_299], %swap3A_302 {add = true, strides = array<i32>} : memref<16384xf32, #tpu.memory_space<vmem>>, vector<16xf32>,
        %mul3A_303 = arith.constant 128 : i32
        %mul3A_304 = arith.muli %add3A_254, %mul3A_303 : i32
        %add3A_305 = arith.constant 64 : i32
        %add3A_306 = arith.addi %mul3A_304, %add3A_305 : i32
        %get3A_307 = arith.index_cast %add3A_254 : i32 to index
        %get3A_308 = arith.constant 64 : index
        %get3A_309 = tpu.vector_load %arg10[%get3A_307, %get3A_308] {strides = array<i32>} : memref<128x128xf32, #tpu.memory_space<vmem>>, vector<1x16xf32>,
        %get3A_310 = vector.shape_cast %get3A_309 : vector<1x16xf32> to vector<16xf32>
        %swap3A_311 = arith.index_cast %add3A_306 : i32 to index
        %swap3A_312 = tpu.vector_load %arg8[%swap3A_311] {strides = array<i32>} : memref<16384xf32, #tpu.memory_space<vmem>>, vector<16xf32>,
        %swap3A_313 = vector.shape_cast %swap3A_312 : vector<16xf32> to vector<16xf32>
        %swap3A_314 = vector.shape_cast %get3A_310 : vector<16xf32> to vector<16xf32>
        tpu.vector_store %arg8[%swap3A_311], %swap3A_314 {add = true, strides = array<i32>} : memref<16384xf32, #tpu.memory_space<vmem>>, vector<16xf32>,
        %mul3A_315 = arith.constant 128 : i32
        %mul3A_316 = arith.muli %add3A_254, %mul3A_315 : i32
        %add3A_317 = arith.constant 80 : i32
        %add3A_318 = arith.addi %mul3A_316, %add3A_317 : i32
        %get3A_319 = arith.index_cast %add3A_254 : i32 to index
        %get3A_320 = arith.constant 80 : index
        %get3A_321 = tpu.vector_load %arg10[%get3A_319, %get3A_320] {strides = array<i32>} : memref<128x128xf32, #tpu.memory_space<vmem>>, vector<1x16xf32>,
        %get3A_322 = vector.shape_cast %get3A_321 : vector<1x16xf32> to vector<16xf32>
        %swap3A_323 = arith.index_cast %add3A_318 : i32 to index
        %swap3A_324 = tpu.vector_load %arg8[%swap3A_323] {strides = array<i32>} : memref<16384xf32, #tpu.memory_space<vmem>>, vector<16xf32>,
        %swap3A_325 = vector.shape_cast %swap3A_324 : vector<16xf32> to vector<16xf32>
        %swap3A_326 = vector.shape_cast %get3A_322 : vector<16xf32> to vector<16xf32>
        tpu.vector_store %arg8[%swap3A_323], %swap3A_326 {add = true, strides = array<i32>} : memref<16384xf32, #tpu.memory_space<vmem>>, vector<16xf32>,
        %mul3A_327 = arith.constant 128 : i32
        %mul3A_328 = arith.muli %add3A_254, %mul3A_327 : i32
        %add3A_329 = arith.constant 96 : i32
        %add3A_330 = arith.addi %mul3A_328, %add3A_329 : i32
        %get3A_331 = arith.index_cast %add3A_254 : i32 to index
        %get3A_332 = arith.constant 96 : index
        %get3A_333 = tpu.vector_load %arg10[%get3A_331, %get3A_332] {strides = array<i32>} : memref<128x128xf32, #tpu.memory_space<vmem>>, vector<1x16xf32>,
        %get3A_334 = vector.shape_cast %get3A_333 : vector<1x16xf32> to vector<16xf32>
        %swap3A_335 = arith.index_cast %add3A_330 : i32 to index
        %swap3A_336 = tpu.vector_load %arg8[%swap3A_335] {strides = array<i32>} : memref<16384xf32, #tpu.memory_space<vmem>>, vector<16xf32>,
        %swap3A_337 = vector.shape_cast %swap3A_336 : vector<16xf32> to vector<16xf32>
        %swap3A_338 = vector.shape_cast %get3A_334 : vector<16xf32> to vector<16xf32>
        tpu.vector_store %arg8[%swap3A_335], %swap3A_338 {add = true, strides = array<i32>} : memref<16384xf32, #tpu.memory_space<vmem>>, vector<16xf32>,
        %mul3A_339 = arith.constant 128 : i32
        %mul3A_340 = arith.muli %add3A_254, %mul3A_339 : i32
        %add3A_341 = arith.constant 112 : i32
        %add3A_342 = arith.addi %mul3A_340, %add3A_341 : i32
        %get3A_343 = arith.index_cast %add3A_254 : i32 to index
        %get3A_344 = arith.constant 112 : index
        %get3A_345 = tpu.vector_load %arg10[%get3A_343, %get3A_344] {strides = array<i32>} : memref<128x128xf32, #tpu.memory_space<vmem>>, vector<1x16xf32>,
        %get3A_346 = vector.shape_cast %get3A_345 : vector<1x16xf32> to vector<16xf32>
        %swap3A_347 = arith.index_cast %add3A_342 : i32 to index
        %swap3A_348 = tpu.vector_load %arg8[%swap3A_347] {strides = array<i32>} : memref<16384xf32, #tpu.memory_space<vmem>>, vector<16xf32>,
        %swap3A_349 = vector.shape_cast %swap3A_348 : vector<16xf32> to vector<16xf32>
        %swap3A_350 = vector.shape_cast %get3A_346 : vector<16xf32> to vector<16xf32>
        tpu.vector_store %arg8[%swap3A_347], %swap3A_350 {add = true, strides = array<i32>} : memref<16384xf32, #tpu.memory_space<vmem>>, vector<16xf32>,
      }
      %scan3A_144 = arith.constant 64 : i32
      %mul3A_145 = arith.constant 128 : i32
      %mul3A_146 = arith.muli %add3A_98, %mul3A_145 : i32
      %add3A_147 = arith.addi %mul3A_2, %mul3A_146 : i32
      %mul3A_148 = arith.constant 128 : i32
      %mul3A_149 = arith.muli %add3A_147, %mul3A_148 : i32
      %dma_start3A_150 = tpu.memref_slice %arg6[%mul3A_149] : memref<104857600xf32, #tpu.memory_space<hbm>> -> memref<16384xf32, #tpu.memory_space<hbm>>
      %dma_start3A_151 = tpu.memref_slice %arg6[%mul3A_149] : memref<104857600xf32, #tpu.memory_space<hbm>> -> memref<16384xf32, #tpu.memory_space<hbm>>
      tpu.enqueue_dma source(%arg8 : memref<16384xf32, #tpu.memory_space<vmem>>) target(%dma_start3A_151 : memref<16384xf32, #tpu.memory_space<hbm>>) target_semaphore(%arg23 : memref<!tpu.dma_semaphore, #tpu.memory_space<semaphore_mem>>)
    }
    %scan3A_26 = arith.constant 100 : i32
    %add3A_27 = arith.constant 25344 : i32
    %add3A_28 = arith.addi %mul3A_2, %add3A_27 : i32
    %mul3A_29 = arith.constant 128 : i32
    %mul3A_30 = arith.muli %add3A_28, %mul3A_29 : i32
    %dma_wait3A = tpu.memref_slice %arg6[%mul3A_30] : memref<104857600xf32, #tpu.memory_space<hbm>> -> memref<16384xf32, #tpu.memory_space<hbm>>
    %dma_wait3A_31 = tpu.memref_slice %arg6[%mul3A_30] : memref<104857600xf32, #tpu.memory_space<hbm>> -> memref<16384xf32, #tpu.memory_space<hbm>>
    tpu.wait_dma2 semaphore(%arg22 : memref<!tpu.dma_semaphore, #tpu.memory_space<semaphore_mem>>) src(%arg7 : memref<16384xf32, #tpu.memory_space<vmem>>) dst(%dma_wait3A_31 : memref<16384xf32, #tpu.memory_space<hbm>>)
    %add3A_32 = arith.constant 25472 : i32
    %add3A_33 = arith.addi %mul3A_2, %add3A_32 : i32
    %mul3A_34 = arith.constant 128 : i32
    %mul3A_35 = arith.muli %add3A_33, %mul3A_34 : i32
    %dma_wait3A_36 = tpu.memref_slice %arg6[%mul3A_35] : memref<104857600xf32, #tpu.memory_space<hbm>> -> memref<16384xf32, #tpu.memory_space<hbm>>
    %dma_wait3A_37 = tpu.memref_slice %arg6[%mul3A_35] : memref<104857600xf32, #tpu.memory_space<hbm>> -> memref<16384xf32, #tpu.memory_space<hbm>>
    tpu.wait_dma2 semaphore(%arg23 : memref<!tpu.dma_semaphore, #tpu.memory_space<semaphore_mem>>) src(%arg8 : memref<16384xf32, #tpu.memory_space<vmem>>) dst(%dma_wait3A_37 : memref<16384xf32, #tpu.memory_space<hbm>>)
    return
  }
}

</mosaic_0001>

<sc_bundles>
// kernel: _run.3.cloned.1.call-start
scs
__scs_entry_jumppad:
0x0: {  	(pc) =	sbr.rel $0x88, $3  }
0x1: {  	(tag) =	ssettag $0x0;
	lr =	simm.s32 $0x1  }
0x2: {  	[smem:$0x3F9D] =	sst lr;
	_ =	strace $0xD0000000  }
0x3: {  	_ = 	snop  }
0x4: {  	_ = 	snop  }
0x5: {  	_ = 	snop  }
0x6: {  	_ = 	snop  }
0x7: {  	_ = 	snop  }
__scs_overlays_trampoline_lowered:
0x8: {  	[smem:$0x3FAC] =	sst s0  }
0x9: {  	[smem:$0x3FAD] =	sst s1  }
0xa: {  	[smem:$0x3FAE] =	sst s2  }
0xb: {  	[smem:$0x3FAF] =	sst s3  }
0xc: {  	[smem:$0x3FB0] =	sst s4  }
0xd: {  	[smem:$0x3FB1] =	sst s5  }
0xe: {  	[smem:$0x3FB2] =	sst s6  }
0xf: {  	[smem:$0x3FB3] =	sst s7  }
0x10: {  	[smem:$0x3FB4] =	sst s8  }
0x11: {  	[smem:$0x3FB5] =	sst s9;
	s0 =	simm.s32 @!p0 $0x0  }
0x12: {  	s1 =	sld [smem:$0x3F9B];
	s0 =	simm.s32 @p0 $0x1  }
0x13: {  	[smem:$0x3FB6] =	sst s0;
	s0 =	simm.s32 @!p1 $0x0  }
0x14: {  	s2 =	sld [smem:$0x3F9A];
	s0 =	simm.s32 @p1 $0x1  }
0x15: {  	[smem:$0x3FB7] =	sst s0;
	s0 =	simm.s32 @!p2 $0x0  }
0x16: {  	s3 =	sld [smem:$0x3FDB];
	s0 =	simm.s32 @p2 $0x1  }
0x17: {  	s4 =	simm.s32 $0x1BF5;
	[smem:$0x3FB9] =	sst s0  }
0x18: {  	s0 =	sld [smem:$0x3F9C];
	_ =	swait.ge [sflag:s4], $0x0  }
0x19: {  	s7 =	sld [smem:$0x3F9D]  }
0x1a: {  	s8 =	sadd.s32 $0xFFFFE003, lr  }
0x1b: {  	s9 =	sadd.s32 $0xFFFFFEF7, lr;
	s5 =	simm.s32 $0xFFFFFFFF;
	p2 =	slt.u32 s8, $0xFFFFF086  }
0x1c: {  	p1 =	slt.u32 s9, $0xF7A;
	s5 =	simm.s32 @!p2 $0x0  }
0x1d: {  	s5 =	simm.s32 @p1 $0x1;
	p0 =	seq.s32 s7, s2  }
0x1e: {  	s7 =	smul.u32 @!p0 $0xF7A, s2;
	p2 =	seq.s32 @!p0 s5, $0x0  }
0x1f: {  	s9 =	smul.u32 $0xF7A, s1;
	s8 =	simm.s32 @!p0 $0x1BF5;
	p2 =	por !p2, p0  }
0x20: {  	[sflag:s8] =	ssyncset.s32 @!p0 $0xFFFFF086;
	s6 =	sadd.s32 @!p0 s3, s7;
	s7 =	simm.s32 @!p0 $0x108  }
0x21: {  	s3 =	sadd.s32 s3, s9;
	s6 =	sadd.s32 @!p0 $0x88, s6;
	s7 =	simm.s32 @p2 $0x1082  }
0x22: {  	[simem:s7], [sflag:s8] =	dma.local @!p0 [hbm:s6], $0xF7A  }
0x23: {  	s9 =	sor.u32 $0xD0000000, s2;
	s6 =	simm.s32 $0x108;
	_ =	swait.ge @!p0 [sflag:s8], $0x0  }
0x24: {  	s3 =	sadd.s32 $0x88, s3;
	s6 =	simm.s32 @!p1 $0x1082;
	[sflag:s4] =	ssyncset.s32 $0xFFFFF086  }
0x25: {  	[simem:s6], [sflag:s4] =	dma.local [hbm:s3], $0xF7A  }
0x26: {  	[smem:$0x3F9D] =	sst s1;
	(tag) =	ssettag s2;
	_ =	strace s9  }
0x27: {  	s1 =	sld [smem:$0x3FAD]  }
0x28: {  	s2 =	sld [smem:$0x3FAE]  }
0x29: {  	s4 =	sld [smem:$0x3FB0]  }
0x2a: {  	p0 =	seq.s32 s5, $0x0;
	s5 =	sld [smem:$0x3FB1]  }
0x2b: {  	s6 =	sld [smem:$0x3FB2]  }
0x2c: {  	s7 =	sld [smem:$0x3FB3]  }
0x2d: {  	s3 =	simm.s32 $0x108;
	s8 =	sld [smem:$0x3FB4]  }
0x2e: {  	s3 =	simm.s32 @!p0 $0x1082;
	s9 =	sld [smem:$0x3FB5]  }
0x2f: {  	lr =	sadd.s32 s0, s3;
	s0 =	sld [smem:$0x3FAC]  }
0x30: {  	s3 =	sld [smem:$0x3FAF]  }
0x31: {  	[smem:$0x3FB8] =	sst s10  }
0x32: {  	s10 =	sld [smem:$0x3FB6];
	_ =	sdelay $0x3  }
0x33: {  	p0 =	seq.s32 s10, $0x1;
	s10 =	sld [smem:$0x3FB8];
	_ =	sdelay $0x3  }
0x34: {  	[smem:$0x3FB8] =	sst s10  }
0x35: {  	s10 =	sld [smem:$0x3FB7];
	_ =	sdelay $0x3  }
0x36: {  	p1 =	seq.s32 s10, $0x1;
	s10 =	sld [smem:$0x3FB8];
	_ =	sdelay $0x3  }
0x37: {  	[smem:$0x3FB8] =	sst s10  }
0x38: {  	s10 =	sld [smem:$0x3FB9]  }
0x39: {  	_ = 	snop;
	(pc) =	sbr.ind lr, $3  }
0x3a: {  	_ = 	snop  }
0x3b: {  	_ = 	snop  }
0x3c: {  	p2 =	seq.s32 s10, $0x1;
	s10 =	sld [smem:$0x3FB8]  }
0x3d: {  	_ =	shalt  }
0x3e: {  	_ =	shalt  }
0x3f: {  	_ =	shalt  }
0x40: {  	_ =	shalt  }
0x41: {  	_ =	shalt  }
0x42: {  	_ =	shalt  }
0x43: {  	_ =	shalt  }
0x44: {  	_ =	shalt  }
0x45: {  	_ =	shalt  }
0x46: {  	_ =	shalt  }
0x47: {  	_ =	shalt  }
0x48: {  	_ =	shalt  }
0x49: {  	_ =	shalt  }
0x4a: {  	_ =	shalt  }
0x4b: {  	_ =	shalt  }
0x4c: {  	_ =	shalt  }
0x4d: {  	_ =	shalt  }
0x4e: {  	_ =	shalt  }
0x4f: {  	_ =	shalt  }
0x50: {  	_ =	shalt  }
0x51: {  	_ =	shalt  }
0x52: {  	_ =	shalt  }
0x53: {  	_ =	shalt  }
0x54: {  	_ =	shalt  }
0x55: {  	_ =	shalt  }
0x56: {  	_ =	shalt  }
0x57: {  	_ =	shalt  }
0x58: {  	_ =	shalt  }
0x59: {  	_ =	shalt  }
0x5a: {  	_ =	shalt  }
0x5b: {  	_ =	shalt  }
0x5c: {  	_ =	shalt  }
0x5d: {  	_ =	shalt  }
0x5e: {  	_ =	shalt  }
0x5f: {  	_ =	shalt  }
0x60: {  	_ =	shalt  }
0x61: {  	_ =	shalt  }
0x62: {  	_ =	shalt  }
0x63: {  	_ =	shalt  }
0x64: {  	_ =	shalt  }
0x65: {  	_ =	shalt  }
0x66: {  	_ =	shalt  }
0x67: {  	_ =	shalt  }
0x68: {  	_ =	shalt  }
0x69: {  	_ =	shalt  }
0x6a: {  	_ =	shalt  }
0x6b: {  	_ =	shalt  }
0x6c: {  	_ =	shalt  }
0x6d: {  	_ =	shalt  }
0x6e: {  	_ =	shalt  }
0x6f: {  	_ =	shalt  }
0x70: {  	_ =	shalt  }
0x71: {  	_ =	shalt  }
0x72: {  	_ =	shalt  }
0x73: {  	_ =	shalt  }
0x74: {  	_ =	shalt  }
0x75: {  	_ =	shalt  }
0x76: {  	_ =	shalt  }
0x77: {  	_ =	shalt  }
0x78: {  	_ =	shalt  }
0x79: {  	_ =	shalt  }
0x7a: {  	_ =	shalt  }
0x7b: {  	_ =	shalt  }
0x7c: {  	_ =	shalt  }
0x7d: {  	_ =	shalt  }
0x7e: {  	_ =	shalt  }
0x7f: {  	_ =	shalt  }
0x80: {  	_ =	shalt  }
0x81: {  	_ =	shalt  }
0x82: {  	_ =	shalt  }
0x83: {  	_ =	shalt  }
0x84: {  	_ =	shalt  }
0x85: {  	_ =	shalt  }
0x86: {  	_ =	shalt  }
0x87: {  	_ =	shalt  }
.Lfunc_end0:
.L_simem_size_0:
called_computation_lowered:
.L_overlay_start_0:
0x88: {  	s2 =	sld [smem:$0x3FD9]  }
0x89: {  	s3 =	sld [smem:$0x3FFE];
	_ =	sdelay $0x1  }
0x8a: {  	s1 =	srdreg.scid  }
0x8b: {  	s0 =	sand.u32 $0x1, s1  }
0x8c: {  	s18 =	sshll.u32 s0, $0xA;
	s2 =	sadd.s32 s3, s2  }
0x8d: {  	s2 =	sadd.s32 s2, s18  }
0x8e: {  	[smem:$0x3FC4] =	sst s2  }
0x8f: {  	_ = 	snop  }
0x90: {  	s2 =	sld [smem:$0x3FC9]  }
0x91: {  	s19 =	sld [smem:$0x3FC8]  }
0x92: {  	s4 =	sld [smem:$0x3FC7]  }
0x93: {  	s5 =	sld [smem:$0x3FC6]  }
0x94: {  	s6 =	sld [smem:$0x3FD0];
	(tm) =	ssettm $0x1  }
0x95: {  	s7 =	sld [smem:$0x3FFB];
	_ =	sdelay $0x3  }
0x96: {  	_ =	strace s7  }
0x97: {  	s7 =	sld [smem:$0x3FFC];
	_ =	sdelay $0x3  }
0x98: {  	_ =	strace s7  }
0x99: {  	s7 =	sld [smem:$0x3FFD];
	_ =	sdelay $0x3  }
0x9a: {  	_ =	strace s7  }
0x9b: {  	_ =	strace $0x8FFFFFFF  }
0x9c: {  	s20 =	sld [smem:$0x3FDB];
	_ =	sdelay $0x1  }
0x9d: {  	s8 =	simm.s32 $_scs_section_size  }
0x9e: {  	s9 =	simm.s32 $_size__tile_overlayer_lowered;
	s10 =	simm.s32 $_tile_overlayer_lowered  }
0x9f: {  	s23 =	simm.s32 $0x1BFF;
	s22 =	sshll.u32 s10, $0x1;
	s7 =	sadd.s32 s8, s20  }
0xa0: {  	s11 =	simm.s32 $0x0;
	s21 =	sshll.u32 s9, $0x1;
	s9 =	sadd.s32 s22, s7  }
0xa1: {  	[timem:s11], [sflag:s23] =	dma.local [hbm:s9], s21  }
0xa2: {  	_ =	swait.ge [sflag:s23], s21  }
0xa3: {  	s8 =	ssub.s32 $0x0, s21;
	[sflag:s23] =	ssyncset.done $0x0  }
0xa4: {  	[sflag:s23] =	ssyncadd.s32 s8;
	_ =	sdelay $0x1  }
0xa5: {  	s24 =	simm.s32 $0x1B8B  }
0xa6: {  	_ =	swait.ge [sflag:s24], $0x1  }
0xa7: {  	[sflag:s24] =	ssyncset.done $0x0  }
0xa8: {  	s25 =	simm.s32 $0x1B8E;
	[sflag:s24] =	ssyncadd.s32 $0xFFFFFFFF  }
0xa9: {  	s26 =	simm.s32 $execute0_lowered;
	[smem:$0x3FD2] =	sst s25  }
0xaa: {  	s8 =	sshll.u32 s26, $0x1;
	_ =	strace $0x80000046;
	[dreg:$0x1] =	wrdreg $0xFFFFFFFF  }
0xab: {  	s28 =	simm.s32 $_size_execute0_lowered;
	s7 =	sadd.s32 s7, s8;
	[dreg:$0x0] =	wrdreg $0x0  }
0xac: {  	s8 =	sshll.u32 s28, $0x1;
	[dreg:$0x2] =	wrdreg s7  }
0xad: {  	[dreg:$0x3] =	wrdreg s8  }
0xae: {  	[dreg:$0x4] =	wrdreg $0xC0  }
0xaf: {  	_ =	task [dreg:s11], $0x5FFFF  }
0xb0: {  	[dreg:$0x1] =	wrdreg $0xFFFFFFFF  }
0xb1: {  	[dreg:$0x0] =	wrdreg $0x60  }
0xb2: {  	[dreg:$0x2] =	wrdreg s2  }
0xb3: {  	[dreg:$0x3] =	wrdreg s19  }
0xb4: {  	[dreg:$0x4] =	wrdreg s4  }
0xb5: {  	[dreg:$0x5] =	wrdreg s5  }
0xb6: {  	[dreg:$0x6] =	wrdreg s6  }
0xb7: {  	[dreg:$0x7] =	wrdreg $0x103000  }
0xb8: {  	[dreg:$0x8] =	wrdreg $0x9  }
0xb9: {  	_ =	task.clear_ibuf [dreg:s11], $0x9FFFF;
	_ =	strace $0x90000046  }
0xba: {  	s29 =	simm.s32 $0x9;
	_ =	strace $0x80000048  }
0xbb: {  	_ =	swait.ge [sflag:s29], $0x1  }
0xbc: {  	[sflag:s29] =	ssyncadd.s32 $0xFFFFFFFF  }
0xbd: {  	_ =	strace $0x90000048  }
0xbe: {  	_ =	sfence  }
0xbf: {  	s30 =	sld [smem:$0x0];
	_ =	sdelay $0x2  }
0xc0: {  	s31 =	sshll.u32 s1, $0xD;
	s1 =	sshrl.u32 s1, $0x2  }
0xc1: {  	s3 =	sand.u32 $0x4000, s31;
	s1 =	sadd.s32 s1, s30  }
0xc2: {  	s0 =	sor.u32 s3, s0;
	s1 =	sshll.u32 s1, $0x11  }
0xc3: {  	s0 =	sor.u32 s1, s0  }
0xc4: {  	s0 =	sadd.s32 $0x8F2B, s0  }
0xc5: {  	[sflag:s0] =	ssyncadd.remote.s32 $0x1  }
0xc6: {  	_ =	sfence.sel $0xFFFF  }
0xc7: {  	[dreg:$0x0] =	wrdreg $0xFFFFFFFF;
	(pc) =	sbr.abs _section_cstart, $3  }
0xc8: {  	[dreg:$0x1] =	wrdreg $0xFFFFFFFF  }
0xc9: {  	_ =	task.clear_ibuf [dreg:s11], $0x2FFFF;
	_ =	strace $0x9FFFFFFF  }
0xca: {  	(tm) =	ssettm $0x7FFFFFFF  }
0xcb: {  	_ =	shalt  }
tec
execute0_lowered:
.L_overlay_start_1:
0x0: {  	(tag) =	ssettag $0x1  }
0x1: {  	s0 =	rddreg [dreg:$0x0]  }
0x2: {  	s1 =	rddreg [dreg:$0x1]  }
0x3: {  	s2 =	rddreg [dreg:$0x2]  }
0x4: {  	s4 =	rddreg [dreg:$0x4];
	s3 =	srdreg.scid  }
0x5: {  	s5 =	stileid.u32;
	s6 =	rddreg [dreg:$0x5];
	s28 =	simm.s32 $0x1  }
0x6: {  	s29 =	simm.s32 $0x7;
	s30 =	simm.s32 $0x4;
	s31 =	simm.s32 $0x10280  }
0x7: {  	s18 =	simm.s32 $0x5;
	s19 =	simm.s32 $0x6;
	s20 =	simm.s32 $0x0  }
0x8: {  	s3 =	sand.u32 $0x1, s3;
	s7 =	sshll.u32 s5, $0x1;
	p0 =	sne.s32 s5, $0x0  }
0x9: {  	s5 =	simm.s32 $0xC000;
	s9 =	sor.u32 s3, s7;
	s7 =	simm.s32 $0x0  }
0xa: {  	s3 =	ssub.s32 $0x2, s3;
	s17 =	sshrl.u32 @!p0 s6, $0x3;
	s8 =	smul.u32 $0x6400, s9  }
0xb: {  	[smem:$0x7FF] =	sst s7;
	s10 =	sshrl.u32 s3, $0x1;
	s12 =	smul.u32 $0x64000, s9  }
0xc: {  	s14 =	smul.u32 $0x320000, s9;
	_ =	strace $0x80000047;
	s3 =	ssub.s32 s3, s10  }
0xd: {  	s22 =	sshrl.u32 s8, $0x3;
	s26 =	sadd.s32 s0, s12;
	s15 =	sor.u32 $0x180, s8  }
0xe: {  	s3 =	smax.u32 s3, $0x1;
	s11 =	sadd.s32 s1, s22;
	[dreg:$0xb] =	wrdreg s26  }
0xf: {  	s23 =	sor.u32 $0x10, s22;
	s10 =	sadd.s32 s2, s22;
	[dreg:$0xc] =	wrdreg s3  }
0x10: {  	s22 =	simm.s32 $0x3;
	s26 =	simm.s32 $0x4000;
	[dreg:$0x7] =	wrdreg s11  }
0x11: {  	s3 =	simm.s32 $0x2;
	[dreg:$0x8] =	wrdreg s10;
	s24 =	sadd.s32 s1, s23  }
0x12: {  	s25 =	sadd.s32 s2, s23;
	s23 =	simm.s32 $0x80;
	[dreg:$0x9] =	wrdreg s24  }
0x13: {  	[dreg:$0xa] =	wrdreg s25;
	s24 =	simm.s32 $0x10200;
	s25 =	simm.s32 $0x8000  }
.LBB2_1:
0x14: {  	s9 =	simm.s32 @!p0 $0x1C08;
	s10 =	rddreg [dreg:$0x3]  }
0x15: {  	[spmem:s17], [sflag:s9] =	dma.local @!p0 [hbm:s10], $0x780  }
0x16: {  	s9 =	simm.s32 @!p0 $0x8  }
0x17: {  	_ =	swait.ge @!p0 [sflag:s9], $0x780  }
0x18: {  	[sflag:s9] =	ssyncset.done @!p0 $0x0  }
0x19: {  	[sflag:s9] =	ssyncadd.s32 @!p0 $0xFFFFF880  }
0x1a: {  	[bflag:$0x0] =	sbarrier.arrive $0xFFFF  }
0x1b: {  	s13 =	simm.s32 $0x10000;
	s12 =	rddreg [dreg:$0x7]  }
0x1c: {  	[tilespmem:s13], [sflag:$0x3] =	stream.linear.gather [hbm4b:s12+s7], $0x80, $0x38;
	[tilespmem:$0x106C0] =	vst v63  }
0x1d: {  	s21 =	simm.s32 $0x10100;
	s16 =	rddreg [dreg:$0x8]  }
0x1e: {  	[tilespmem:s21], [sflag:$0x3] =	stream.linear.gather [hbm4b:s16+s7], $0x80, $0x38;
	[tilespmem:$0x106C0] =	vst v63  }
0x1f: {  	s11 =	rddreg [dreg:$0x9];
	s12 =	simm.s32 $0x10080  }
0x20: {  	[tilespmem:s12], [sflag:$0x4] =	stream.linear.gather [hbm4b:s11+s7], $0x80, $0x38;
	[tilespmem:$0x106C0] =	vst v63  }
0x21: {  	s13 =	rddreg [dreg:$0xa];
	s16 =	simm.s32 $0x10180  }
0x22: {  	[tilespmem:s16], [sflag:$0x4] =	stream.linear.gather [hbm4b:s13+s7], $0x80, $0x38;
	[tilespmem:$0x106C0] =	vst v63  }
0x23: {  	s21 =	rddreg [dreg:$0xb]  }
0x24: {  	[tilespmem:s7], [sflag:$0x1] =	stream.linear.gather [hbm4b:s21+s7], $0x4000, $0x38;
	[tilespmem:$0x106C0] =	vst v63  }
0x25: {  	s21 =	simm.s32 $0x0  }
.LBB2_2:
0x26: {  	_ =	swait.ge [sflag:s22], $0x80  }
0x27: {  	[sflag:s22] =	ssyncset.done $0x0  }
0x28: {  	[sflag:s22] =	ssyncadd.s32 $0xFFFFFF80  }
0x29: {  	_ =	swait.ge [sflag:s22], $0x80  }
0x2a: {  	[sflag:s22] =	ssyncset.done $0x0  }
0x2b: {  	[sflag:s22] =	ssyncadd.s32 $0xFFFFFF80  }
0x2c: {  	v0 =	vld [tilespmem:$0x10000]  }
0x2d: {  	v1 =	vld [tilespmem:$0x10100]  }
0x2e: {  	v2 =	vld [tilespmem:$0x10010]  }
0x2f: {  	v3 =	vld [tilespmem:$0x10110]  }
0x30: {  	v4 =	vld [tilespmem:$0x10020]  }
0x31: {  	v5 =	vld [tilespmem:$0x10120]  }
0x32: {  	v6 =	vld [tilespmem:$0x10030]  }
0x33: {  	v7 =	vld [tilespmem:$0x10130]  }
0x34: {  	v8 =	vld [tilespmem:$0x10040]  }
0x35: {  	v9 =	vld [tilespmem:$0x10140]  }
0x36: {  	v10 =	vld [tilespmem:$0x10050]  }
0x37: {  	v11 =	vld [tilespmem:$0x10150];
	v0 =	vmul.u32 $0x6, v0  }
0x38: {  	v12 =	vld [tilespmem:$0x10060];
	v2 =	vmul.u32 $0x6, v2  }
0x39: {  	v49 =	vld [tilespmem:$0x10070];
	v48 =	vmul.u32 $0x6, v4;
	v0 =	vadd.s32 v1, v0  }
0x3a: {  	v52 =	vld [tilespmem:$0x10160];
	v51 =	vmul.u32 $0x6, v6;
	v50 =	vadd.s32 v3, v2;
	[tilespmem:$0x10200] =	vst v0  }
0x3b: {  	v55 =	vld [tilespmem:$0x10170];
	v54 =	vmul.u32 $0x6, v8;
	v53 =	vadd.s32 v5, v48;
	[tilespmem:$0x10210] =	vst v50  }
0x3c: {  	v57 =	vmul.u32 $0x6, v10;
	v56 =	vadd.s32 v7, v51;
	[tilespmem:$0x10220] =	vst v53  }
0x3d: {  	v59 =	vmul.u32 $0x6, v12;
	v58 =	vadd.s32 v9, v54;
	[tilespmem:$0x10230] =	vst v56  }
0x3e: {  	s9 =	sshll.u32 s21, $0x1;
	v61 =	vmul.u32 $0x6, v49;
	v60 =	vadd.s32 v11, v57;
	[tilespmem:$0x10240] =	vst v58  }
0x3f: {  	p1 =	seq.s32 s21, $0x63;
	s10 =	sadd.s32 $0x2, s9;
	v62 =	vadd.s32 v52, v59;
	[tilespmem:$0x10250] =	vst v60  }
0x40: {  	p2 =	seq.s32 @!p1 s21, $0x0;
	s11 =	sshll.u32 @!p1 s10, $0x7;
	v63 =	vadd.s32 v55, v61;
	[tilespmem:$0x10260] =	vst v62  }
0x41: {  	p2 =	por p1, !p2;
	s11 =	sadd.s32 @!p1 s8, s11;
	[tilespmem:$0x10270] =	vst v63  }
0x42: {  	[tilespmem:s25], [sflag:$0x7] =	stream.indirect.gather [spmem:s6], $0x80, s24, s23, $0xb8;
	[tilespmem:$0x106C0] =	vst v63  }
.Ltmp0:
0x43: {  	s11 =	sshrl.u32 @!p1 s11, $0x3;
	(pc) =	sbr.rel @!p2 .LBB2_4-.Ltmp0, $4  }
0x44: {  	s13 =	simm.s32 @!p1 $0x0;
	s16 =	simm.s32 @!p1 $0x10000;
	s12 =	sadd.s32 @!p1 s1, s11  }
0x45: {  	[tilespmem:s16], [sflag:$0x3] =	stream.linear.gather @!p1 [hbm4b:s12+s13], $0x80, $0x38;
	[tilespmem:$0x106C0] =	vst v63  }
0x46: {  	s9 =	sor.u32 @!p1 $0x1, s9;
	s11 =	sadd.s32 @!p1 s2, s11;
	s12 =	simm.s32 @!p1 $0x10100  }
0x47: {  	[tilespmem:s12], [sflag:$0x3] =	stream.linear.gather @!p1 [hbm4b:s11+s13], $0x80, $0x38;
	[tilespmem:$0x106C0] =	vst v63  }
0x48: {  	_ =	swait.ge [sflag:s19], $0x4000  }
0x49: {  	[sflag:s19] =	ssyncset.done $0x0  }
0x4a: {  	s9 =	simm.s32 @p1 $0xC7;
	[sflag:s19] =	ssyncadd.s32 $0xFFFFC000  }
.LBB2_4:
0x4b: {  	s9 =	sshll.u32 s9, $0xE  }
0x4c: {  	s9 =	sadd.s32 s14, s9  }
0x4d: {  	s9 =	sshrl.u32 s9, $0x3  }
0x4e: {  	s12 =	simm.s32 $0x0;
	s11 =	sadd.s32 s0, s9  }
0x4f: {  	[tilespmem:s26], [sflag:$0x2] =	stream.linear.gather [hbm4b:s11+s12], $0x4000, $0x38;
	[tilespmem:$0x106C0] =	vst v63  }
0x50: {  	_ =	swait.ge [sflag:s28], $0x4000  }
0x51: {  	[sflag:s28] =	ssyncset.done $0x0  }
0x52: {  	[sflag:s28] =	ssyncadd.s32 $0xFFFFC000  }
0x53: {  	_ =	swait.ge [sflag:s29], $0x4000  }
0x54: {  	[sflag:s29] =	ssyncset.done $0x0  }
0x55: {  	s11 =	simm.s32 $0x0;
	s12 =	simm.s32 $0x400;
	[sflag:s29] =	ssyncadd.s32 $0xFFFFC000  }
.LBB2_5:
0x56: {  	p2 =	sne.s32 s12, $0xFC00;
	v0 =	vld [tilespmem:s11+$0x80F0]  }
0x57: {  	v1 =	vld [tilespmem:s11+$0x8000]  }
0x58: {  	v2 =	vld [tilespmem:s11+$0x8010]  }
0x59: {  	v3 =	vld [tilespmem:s11+$0x8020]  }
0x5a: {  	v4 =	vld [tilespmem:s11+$0x8030]  }
0x5b: {  	[tilespmem:s11+$0xF0] =	vst.add.f32.msk $0xffff, v0  }
0x5c: {  	v0 =	vld [tilespmem:s11+$0x8040]  }
0x5d: {  	v5 =	vld [tilespmem:s11+$0x8050]  }
0x5e: {  	v6 =	vld [tilespmem:s11+$0x8060]  }
0x5f: {  	v7 =	vld [tilespmem:s11+$0x8070]  }
0x60: {  	v8 =	vld [tilespmem:s11+$0x8080]  }
0x61: {  	v9 =	vld [tilespmem:s11+$0x8090]  }
0x62: {  	v10 =	vld [tilespmem:s11+$0x80A0]  }
0x63: {  	v11 =	vld [tilespmem:s11+$0x80B0]  }
0x64: {  	v12 =	vld [tilespmem:s11+$0x80C0]  }
0x65: {  	v13 =	vld [tilespmem:s11+$0x80D0]  }
0x66: {  	v14 =	vld [tilespmem:s11+$0x80E0]  }
0x67: {  	[tilespmem:s11+$0x0] =	vst.add.f32.msk $0xffff, v1  }
0x68: {  	[tilespmem:s11+$0x10] =	vst.add.f32.msk $0xffff, v2  }
0x69: {  	[tilespmem:s11+$0x20] =	vst.add.f32.msk $0xffff, v3  }
0x6a: {  	[tilespmem:s11+$0x30] =	vst.add.f32.msk $0xffff, v4  }
0x6b: {  	[tilespmem:s11+$0x40] =	vst.add.f32.msk $0xffff, v0  }
0x6c: {  	[tilespmem:s11+$0x50] =	vst.add.f32.msk $0xffff, v5  }
0x6d: {  	[tilespmem:s11+$0x60] =	vst.add.f32.msk $0xffff, v6  }
0x6e: {  	[tilespmem:s11+$0x70] =	vst.add.f32.msk $0xffff, v7  }
0x6f: {  	[tilespmem:s11+$0x80] =	vst.add.f32.msk $0xffff, v8  }
0x70: {  	[tilespmem:s11+$0x90] =	vst.add.f32.msk $0xffff, v9  }
.Ltmp1:
0x71: {  	[tilespmem:s11+$0xA0] =	vst.add.f32.msk $0xffff, v10;
	(pc) =	sbr.rel @p2 .LBB2_5-.Ltmp1, $4  }
0x72: {  	[tilespmem:s11+$0xB0] =	vst.add.f32.msk $0xffff, v11  }
0x73: {  	[tilespmem:s11+$0xC0] =	vst.add.f32.msk $0xffff, v12  }
0x74: {  	[tilespmem:s11+$0xD0] =	vst.add.f32.msk $0xffff, v13  }
0x75: {  	[tilespmem:s11+$0xE0] =	vst.add.f32.msk $0xffff, v14;
	s11 =	sshra.s32 s12, $0x2;
	s12 =	sadd.s32 $0x400, s12  }
0x76: {  	v0 =	vld [tilespmem:s11+$0x80F0]  }
0x77: {  	v1 =	vld [tilespmem:s11+$0x8000]  }
0x78: {  	v2 =	vld [tilespmem:s11+$0x8010]  }
0x79: {  	v3 =	vld [tilespmem:s11+$0x8020]  }
0x7a: {  	v4 =	vld [tilespmem:s11+$0x8030]  }
0x7b: {  	v34 =	vld [tilespmem:s11+$0x8040]  }
0x7c: {  	v5 =	vld [tilespmem:s11+$0x8050]  }
0x7d: {  	v6 =	vld [tilespmem:s11+$0x8060]  }
0x7e: {  	v7 =	vld [tilespmem:s11+$0x8070]  }
0x7f: {  	v8 =	vld [tilespmem:s11+$0x8080]  }
0x80: {  	v9 =	vld [tilespmem:s11+$0x8090]  }
0x81: {  	v10 =	vld [tilespmem:s11+$0x80A0]  }
0x82: {  	v11 =	vld [tilespmem:s11+$0x80B0]  }
0x83: {  	v12 =	vld [tilespmem:s11+$0x80C0]  }
0x84: {  	v13 =	vld [tilespmem:s11+$0x80D0]  }
0x85: {  	v14 =	vld [tilespmem:s11+$0x80E0]  }
0x86: {  	[tilespmem:s11+$0xF0] =	vst.add.f32.msk $0xffff, v0  }
0x87: {  	[tilespmem:s11+$0x0] =	vst.add.f32.msk $0xffff, v1  }
0x88: {  	[tilespmem:s11+$0x10] =	vst.add.f32.msk $0xffff, v2  }
0x89: {  	[tilespmem:s11+$0x20] =	vst.add.f32.msk $0xffff, v3  }
0x8a: {  	[tilespmem:s11+$0x30] =	vst.add.f32.msk $0xffff, v4  }
0x8b: {  	[tilespmem:s11+$0x40] =	vst.add.f32.msk $0xffff, v34  }
0x8c: {  	[tilespmem:s11+$0x50] =	vst.add.f32.msk $0xffff, v5  }
0x8d: {  	[tilespmem:s11+$0x60] =	vst.add.f32.msk $0xffff, v6  }
0x8e: {  	[tilespmem:s11+$0x70] =	vst.add.f32.msk $0xffff, v7  }
0x8f: {  	[tilespmem:s11+$0x80] =	vst.add.f32.msk $0xffff, v8  }
0x90: {  	[tilespmem:s11+$0x90] =	vst.add.f32.msk $0xffff, v9  }
0x91: {  	[tilespmem:s11+$0xA0] =	vst.add.f32.msk $0xffff, v10  }
0x92: {  	s12 =	sshll.u32 s21, $0xF;
	[tilespmem:s11+$0xB0] =	vst.add.f32.msk $0xffff, v11  }
0x93: {  	s12 =	sadd.s32 s14, s12;
	[tilespmem:s11+$0xC0] =	vst.add.f32.msk $0xffff, v12  }
0x94: {  	s12 =	sshrl.u32 s12, $0x3;
	[tilespmem:s11+$0xD0] =	vst.add.f32.msk $0xffff, v13  }
0x95: {  	s16 =	sadd.s32 s4, s12;
	[tilespmem:s11+$0xE0] =	vst.add.f32.msk $0xffff, v14  }
0x96: {  	[hbm4b:s16+s7] =	stream.linear.scatter [tilespmem:s7], [sflag:$0x5], $0x4000, $0x38;
	[tilespmem:$0x106C0] =	vst v63  }
0x97: {  	_ =	swait.ge [sflag:s30], $0x80  }
0x98: {  	[sflag:s30] =	ssyncset.done $0x0  }
0x99: {  	[sflag:s30] =	ssyncadd.s32 $0xFFFFFF80  }
0x9a: {  	_ =	swait.ge [sflag:s30], $0x80  }
0x9b: {  	[sflag:s30] =	ssyncset.done $0x0  }
0x9c: {  	[sflag:s30] =	ssyncadd.s32 $0xFFFFFF80  }
0x9d: {  	v35 =	vld [tilespmem:$0x10080]  }
0x9e: {  	v36 =	vld [tilespmem:$0x10180]  }
0x9f: {  	v37 =	vld [tilespmem:$0x10090]  }
0xa0: {  	v38 =	vld [tilespmem:$0x10190]  }
0xa1: {  	v39 =	vld [tilespmem:$0x100A0]  }
0xa2: {  	v40 =	vld [tilespmem:$0x101A0]  }
0xa3: {  	v41 =	vld [tilespmem:$0x100B0]  }
0xa4: {  	v42 =	vld [tilespmem:$0x101B0]  }
0xa5: {  	v43 =	vld [tilespmem:$0x100C0]  }
0xa6: {  	v44 =	vld [tilespmem:$0x101C0]  }
0xa7: {  	v45 =	vld [tilespmem:$0x100D0]  }
0xa8: {  	v46 =	vld [tilespmem:$0x101D0];
	v0 =	vmul.u32 $0x6, v35  }
0xa9: {  	v47 =	vld [tilespmem:$0x100E0];
	v2 =	vmul.u32 $0x6, v37  }
0xaa: {  	v49 =	vld [tilespmem:$0x100F0];
	v48 =	vmul.u32 $0x6, v39;
	v0 =	vadd.s32 v36, v0  }
0xab: {  	v52 =	vld [tilespmem:$0x101E0];
	v51 =	vmul.u32 $0x6, v41;
	v50 =	vadd.s32 v38, v2;
	[tilespmem:$0x10280] =	vst v0  }
0xac: {  	v55 =	vld [tilespmem:$0x101F0];
	v54 =	vmul.u32 $0x6, v43;
	v53 =	vadd.s32 v40, v48;
	[tilespmem:$0x10290] =	vst v50  }
0xad: {  	v57 =	vmul.u32 $0x6, v45;
	v56 =	vadd.s32 v42, v51;
	[tilespmem:$0x102A0] =	vst v53  }
0xae: {  	v59 =	vmul.u32 $0x6, v47;
	v58 =	vadd.s32 v44, v54;
	[tilespmem:$0x102B0] =	vst v56  }
0xaf: {  	v61 =	vmul.u32 $0x6, v49;
	v60 =	vadd.s32 v46, v57;
	[tilespmem:$0x102C0] =	vst v58  }
0xb0: {  	s11 =	sshll.u32 @!p1 s21, $0x8;
	v62 =	vadd.s32 v52, v59;
	[tilespmem:$0x102D0] =	vst v60  }
0xb1: {  	s11 =	sadd.s32 @!p1 s11, s15;
	v63 =	vadd.s32 v55, v61;
	[tilespmem:$0x102E0] =	vst v62  }
0xb2: {  	s11 =	sshrl.u32 @!p1 s11, $0x3;
	[tilespmem:$0x102F0] =	vst v63  }
0xb3: {  	[tilespmem:s5], [sflag:$0x7] =	stream.indirect.gather [spmem:s6], $0x80, s31, s23, $0xb8;
	[tilespmem:$0x106C0] =	vst v63  }
0xb4: {  	s13 =	simm.s32 @!p1 $0x0;
	s16 =	simm.s32 @!p1 $0x10080;
	s12 =	sadd.s32 @!p1 s1, s11  }
0xb5: {  	[tilespmem:s16], [sflag:$0x4] =	stream.linear.gather @!p1 [hbm4b:s12+s13], $0x80, $0x38;
	[tilespmem:$0x106C0] =	vst v63  }
0xb6: {  	s11 =	sadd.s32 @!p1 s2, s11;
	s12 =	simm.s32 @!p1 $0x10180  }
0xb7: {  	[tilespmem:s12], [sflag:$0x4] =	stream.linear.gather @!p1 [hbm4b:s11+s13], $0x80, $0x38;
	[tilespmem:$0x106C0] =	vst v63  }
0xb8: {  	s10 =	sshll.u32 @!p1 s10, $0xE;
	s11 =	simm.s32 @!p1 $0x5  }
0xb9: {  	s10 =	sadd.s32 @!p1 s14, s10;
	_ =	swait.ge @!p1 [sflag:s11], $0x4000  }
0xba: {  	s10 =	sshrl.u32 @!p1 s10, $0x3;
	[sflag:s11] =	ssyncset.done @!p1 $0x0  }
0xbb: {  	s10 =	sadd.s32 @!p1 s0, s10;
	[sflag:s11] =	ssyncadd.s32 @!p1 $0xFFFFC000  }
0xbc: {  	[tilespmem:s13], [sflag:$0x1] =	stream.linear.gather @!p1 [hbm4b:s10+s13], $0x4000, $0x38;
	[tilespmem:$0x106C0] =	vst v63  }
0xbd: {  	_ =	swait.ge [sflag:s3], $0x4000  }
0xbe: {  	[sflag:s3] =	ssyncset.done $0x0  }
0xbf: {  	[sflag:s3] =	ssyncadd.s32 $0xFFFFC000  }
0xc0: {  	_ =	swait.ge [sflag:s29], $0x4000  }
0xc1: {  	[sflag:s29] =	ssyncset.done $0x0  }
0xc2: {  	s11 =	simm.s32 $0x400;
	s10 =	simm.s32 $0x0;
	[sflag:s29] =	ssyncadd.s32 $0xFFFFC000  }
.LBB2_7:
0xc3: {  	p1 =	sne.s32 s11, $0xFC00;
	v0 =	vld [tilespmem:s10+$0xC0F0]  }
0xc4: {  	v1 =	vld [tilespmem:s10+$0xC000]  }
0xc5: {  	v2 =	vld [tilespmem:s10+$0xC010]  }
0xc6: {  	v3 =	vld [tilespmem:s10+$0xC020]  }
0xc7: {  	v4 =	vld [tilespmem:s10+$0xC030]  }
0xc8: {  	[tilespmem:s10+$0x40F0] =	vst.add.f32.msk $0xffff, v0  }
0xc9: {  	v0 =	vld [tilespmem:s10+$0xC040]  }
0xca: {  	v5 =	vld [tilespmem:s10+$0xC050]  }
0xcb: {  	v6 =	vld [tilespmem:s10+$0xC060]  }
0xcc: {  	v7 =	vld [tilespmem:s10+$0xC070]  }
0xcd: {  	v8 =	vld [tilespmem:s10+$0xC080]  }
0xce: {  	v9 =	vld [tilespmem:s10+$0xC090]  }
0xcf: {  	v10 =	vld [tilespmem:s10+$0xC0A0]  }
0xd0: {  	v11 =	vld [tilespmem:s10+$0xC0B0]  }
0xd1: {  	v12 =	vld [tilespmem:s10+$0xC0C0]  }
0xd2: {  	v13 =	vld [tilespmem:s10+$0xC0D0]  }
0xd3: {  	v14 =	vld [tilespmem:s10+$0xC0E0]  }
0xd4: {  	[tilespmem:s10+$0x4000] =	vst.add.f32.msk $0xffff, v1  }
0xd5: {  	[tilespmem:s10+$0x4010] =	vst.add.f32.msk $0xffff, v2  }
0xd6: {  	[tilespmem:s10+$0x4020] =	vst.add.f32.msk $0xffff, v3  }
0xd7: {  	[tilespmem:s10+$0x4030] =	vst.add.f32.msk $0xffff, v4  }
0xd8: {  	[tilespmem:s10+$0x4040] =	vst.add.f32.msk $0xffff, v0  }
0xd9: {  	[tilespmem:s10+$0x4050] =	vst.add.f32.msk $0xffff, v5  }
0xda: {  	[tilespmem:s10+$0x4060] =	vst.add.f32.msk $0xffff, v6  }
0xdb: {  	[tilespmem:s10+$0x4070] =	vst.add.f32.msk $0xffff, v7  }
0xdc: {  	[tilespmem:s10+$0x4080] =	vst.add.f32.msk $0xffff, v8  }
0xdd: {  	[tilespmem:s10+$0x4090] =	vst.add.f32.msk $0xffff, v9  }
.Ltmp2:
0xde: {  	[tilespmem:s10+$0x40A0] =	vst.add.f32.msk $0xffff, v10;
	(pc) =	sbr.rel @p1 .LBB2_7-.Ltmp2, $4  }
0xdf: {  	[tilespmem:s10+$0x40B0] =	vst.add.f32.msk $0xffff, v11  }
0xe0: {  	[tilespmem:s10+$0x40C0] =	vst.add.f32.msk $0xffff, v12  }
0xe1: {  	[tilespmem:s10+$0x40D0] =	vst.add.f32.msk $0xffff, v13  }
0xe2: {  	[tilespmem:s10+$0x40E0] =	vst.add.f32.msk $0xffff, v14;
	s10 =	sshra.s32 s11, $0x2;
	s11 =	sadd.s32 $0x400, s11  }
0xe3: {  	v0 =	vld [tilespmem:s10+$0xC0F0]  }
0xe4: {  	v1 =	vld [tilespmem:s10+$0xC000]  }
0xe5: {  	v2 =	vld [tilespmem:s10+$0xC010]  }
0xe6: {  	v3 =	vld [tilespmem:s10+$0xC020]  }
0xe7: {  	v4 =	vld [tilespmem:s10+$0xC030]  }
0xe8: {  	v63 =	vld [tilespmem:s10+$0xC040]  }
0xe9: {  	v5 =	vld [tilespmem:s10+$0xC050]  }
0xea: {  	v6 =	vld [tilespmem:s10+$0xC060]  }
0xeb: {  	v7 =	vld [tilespmem:s10+$0xC070]  }
0xec: {  	v8 =	vld [tilespmem:s10+$0xC080]  }
0xed: {  	v9 =	vld [tilespmem:s10+$0xC090]  }
0xee: {  	v10 =	vld [tilespmem:s10+$0xC0A0]  }
0xef: {  	v11 =	vld [tilespmem:s10+$0xC0B0]  }
0xf0: {  	v12 =	vld [tilespmem:s10+$0xC0C0]  }
0xf1: {  	v13 =	vld [tilespmem:s10+$0xC0D0]  }
0xf2: {  	v14 =	vld [tilespmem:s10+$0xC0E0]  }
0xf3: {  	[tilespmem:s10+$0x40F0] =	vst.add.f32.msk $0xffff, v0  }
0xf4: {  	[tilespmem:s10+$0x4000] =	vst.add.f32.msk $0xffff, v1  }
0xf5: {  	[tilespmem:s10+$0x4010] =	vst.add.f32.msk $0xffff, v2  }
0xf6: {  	[tilespmem:s10+$0x4020] =	vst.add.f32.msk $0xffff, v3  }
0xf7: {  	[tilespmem:s10+$0x4030] =	vst.add.f32.msk $0xffff, v4  }
0xf8: {  	[tilespmem:s10+$0x4040] =	vst.add.f32.msk $0xffff, v63  }
0xf9: {  	[tilespmem:s10+$0x4050] =	vst.add.f32.msk $0xffff, v5  }
0xfa: {  	[tilespmem:s10+$0x4060] =	vst.add.f32.msk $0xffff, v6  }
0xfb: {  	[tilespmem:s10+$0x4070] =	vst.add.f32.msk $0xffff, v7  }
0xfc: {  	[tilespmem:s10+$0x4080] =	vst.add.f32.msk $0xffff, v8  }
0xfd: {  	s21 =	sadd.s32 $0x1, s21;
	[tilespmem:s10+$0x4090] =	vst.add.f32.msk $0xffff, v9  }
0xfe: {  	p1 =	sne.s32 s21, $0x64;
	[tilespmem:s10+$0x40A0] =	vst.add.f32.msk $0xffff, v10  }
.Ltmp3:
0xff: {  	[tilespmem:s10+$0x40B0] =	vst.add.f32.msk $0xffff, v11;
	(pc) =	sbr.rel @p1 .LBB2_2-.Ltmp3, $4  }
0x100: {  	[tilespmem:s10+$0x40C0] =	vst.add.f32.msk $0xffff, v12  }
0x101: {  	[tilespmem:s10+$0x40D0] =	vst.add.f32.msk $0xffff, v13  }
0x102: {  	s9 =	sadd.s32 s4, s9;
	[tilespmem:s10+$0x40E0] =	vst.add.f32.msk $0xffff, v14  }
0x103: {  	[hbm4b:s9+s7] =	stream.linear.scatter [tilespmem:s26], [sflag:$0x6], $0x4000, $0x38;
	[tilespmem:$0x106C0] =	vst v63  }
0x104: {  	_ =	swait.ge [sflag:s18], $0x4000  }
0x105: {  	[sflag:s18] =	ssyncset.done $0x0  }
0x106: {  	[sflag:s18] =	ssyncadd.s32 $0xFFFFC000  }
0x107: {  	_ =	swait.ge [sflag:s19], $0x4000  }
0x108: {  	s20 =	sadd.s32 $0x1, s20;
	s9 =	rddreg [dreg:$0xc]  }
0x109: {  	p1 =	sne.s32 s20, s9  }
.Ltmp4:
0x10a: {  	_ = 	snop;
	(pc) =	sbr.rel @p1 .LBB2_1-.Ltmp4, $3  }
0x10b: {  	_ =	sdelay $0x1  }
0x10c: {  	[sflag:s19] =	ssyncset.done $0x0  }
0x10d: {  	[sflag:s19] =	ssyncadd.s32 $0xFFFFC000  }
0x10e: {  	_ =	sfence.sel $0x180000  }
0x10f: {  	[bflag:$0x0] =	sbarrier.arrive $0xFFFF  }
0x110: {  	_ =	strace $0x90000047  }
0x111: {  	[bflag:$0x2] =	sbarrier.arrive $0xFFFF  }
0x112: {  	s0 =	rddreg [dreg:$0x6]  }
0x113: {  	s0 =	sadd.s32 @!p0 $0x100000, s0  }
0x114: {  	[sflag:s0] =	ssyncadd.tile.s32 @!p0 $0x1;
	_ =	shalt  }
.Lfunc_end2:
_tile_overlayer_lowered:
.L_overlay_start_2:
0x115: {  	(tag) =	ssettag $0x2  }
0x116: {  	s0 =	rddreg [dreg:$0x0];
	s2 =	stileid.u32  }
0x117: {  	s1 =	rddreg [dreg:$0x1];
	p0 =	sne.s32 s2, $0x0  }
0x118: {  	s3 =	rddreg [dreg:$0x2];
	[bflag:$0x3] =	sbarrier.arrive $0xFFFF;
	s2 =	simm.s32 @!p0 $0x1C08  }
0x119: {  	[timem:s3], [sflag:s2] =	dma.local @!p0 [hbm:s0], s1  }
0x11a: {  	s0 =	simm.s32 @!p0 $0x8  }
0x11b: {  	_ =	swait.ge @!p0 [sflag:s0], s1  }
0x11c: {  	s1 =	ssub.s32 @!p0 $0x0, s1;
	[sflag:s0] =	ssyncset.done @!p0 $0x0  }
0x11d: {  	[sflag:s0] =	ssyncadd.s32 @!p0 s1  }
0x11e: {  	[bflag:$0x3] =	sbarrier.arrive $0xFFFF  }
0x11f: {  	_ =	shalt  }

</sc_bundles>
